<compile_context>
chip_gen: v7x
topology: tpu7x:2x2x1
jax: 0.10.2.dev20260603
libtpu: 0.0.44.dev20260713+nightly
codegen_flags: <defaults>
</compile_context>

<pallas_src>
import jax
import jax.numpy as jnp
from jax import lax
from jax.experimental import pallas as pl
from jax.experimental.pallas import tpu as pltpu
from jax.experimental.pallas import tpu_sc as plsc

NC = 2
NS = 16
CHUNK = 256
ZCH = 128
NBUF = 4

_CP = pltpu.CompilerParams(use_tc_tiling_on_sc=False)


def _mesh():
    return plsc.VectorSubcoreMesh(
        core_axis_name="c", subcore_axis_name="s", num_cores=NC, num_subcores=NS
    )


def _sc_degree(dst_2d, ones_c, zeros_n, np_, ep):
    kpt = ep // (NC * NS * CHUNK)
    rpt = np_ // NS

    def body(dst_hbm, ones_hbm, zeros_hbm, out_hbm, dstv, onesv, acc):
        c = lax.axis_index("c")
        s = lax.axis_index("s")
        w = c * NS + s
        pltpu.sync_copy(dst_hbm.at[pl.ds(w * kpt, kpt)], dstv)
        pltpu.sync_copy(ones_hbm, onesv)
        pltpu.sync_copy(zeros_hbm.at[pl.ds(s * rpt, rpt)],
                        acc.at[pl.ds(s * rpt, rpt)])
        plsc.subcore_barrier()

        def step(j, _):
            pltpu.sync_copy(onesv, acc.at[dstv.at[j]], add=True)
            return _

        lax.fori_loop(0, kpt, step, None)
        plsc.subcore_barrier()
        pltpu.sync_copy(acc.at[pl.ds(s * rpt, rpt)],
                        out_hbm.at[c, pl.ds(s * rpt, rpt)])

    f = pl.kernel(
        body,
        out_type=jax.ShapeDtypeStruct((NC, np_), jnp.float32),
        mesh=_mesh(), compiler_params=_CP,
        scratch_types=[
            pltpu.VMEM((kpt, CHUNK), jnp.int32),
            pltpu.VMEM((CHUNK,), jnp.float32),
            pltpu.VMEM_SHARED((np_,), jnp.float32),
        ],
    )
    return f(dst_2d, ones_c, zeros_n)


def _sc_aggregate(y, src_2d, dst_2d, zeros_2d, np_, h, ep):
    kpt = ep // (NC * NS * CHUNK)
    rpt = np_ // NS

    assert kpt % NBUF == 0 and kpt >= 2 * NBUF

    assert rpt % ZCH == 0

    def body(y_hbm, src_hbm, dst_hbm, zeros_hbm, out_hbm, srcv, dstv,
             rows0, rows1, rows2, rows3, acc,
             g0, g1, g2, g3, s0, s1, s2, s3):
        rows = (rows0, rows1, rows2, rows3)
        gsem = (g0, g1, g2, g3)
        ssem = (s0, s1, s2, s3)
        c = lax.axis_index("c")
        s = lax.axis_index("s")
        w = c * NS + s
        pltpu.sync_copy(src_hbm.at[pl.ds(w * kpt, kpt)], srcv)
        pltpu.sync_copy(dst_hbm.at[pl.ds(w * kpt, kpt)], dstv)
        pltpu.sync_copy(zeros_hbm, rows0.at[pl.ds(0, ZCH)])
        for k in range(rpt // ZCH):
            pltpu.sync_copy(rows0.at[pl.ds(0, ZCH)],
                            acc.at[pl.ds(s * rpt + k * ZCH, ZCH)])
        plsc.subcore_barrier()

        def gather(j, b):
            pltpu.async_copy(y_hbm.at[srcv.at[j]], rows[b], gsem[b])

        def gwait(j, b):
            pltpu.make_async_copy(y_hbm.at[srcv.at[j]], rows[b], gsem[b]).wait()

        def scat(j, b):
            pltpu.async_copy(rows[b], acc.at[dstv.at[j]], ssem[b], add=True)

        def swait(j, b):
            pltpu.make_async_copy(rows[b], acc.at[dstv.at[j]], ssem[b]).wait()

        gather(0, 0)
        gather(1, 1)
        gwait(0, 0); scat(0, 0); gather(2, 2)
        gwait(1, 1); scat(1, 1); gather(3, 3)

        def step4(i, _):
            for b in range(NBUF):
                j = NBUF * i + 2 + b
                bb = (2 + b) % NBUF
                gwait(j, bb)
                scat(j, bb)
                swait(j - 2, (bb + 2) % NBUF)
                gather(j + 2, (bb + 2) % NBUF)
            return _

        lax.fori_loop(0, (kpt - 4) // NBUF, step4, None)
        jt = kpt - 2
        gwait(jt, jt % NBUF); scat(jt, jt % NBUF)
        gwait(jt + 1, (jt + 1) % NBUF); scat(jt + 1, (jt + 1) % NBUF)
        for j in range(kpt - 4, kpt):
            swait(j, j % NBUF)
        plsc.subcore_barrier()
        pltpu.sync_copy(acc.at[pl.ds(s * rpt, rpt)],
                        out_hbm.at[c, pl.ds(s * rpt, rpt)])

    f = pl.kernel(
        body,
        out_type=jax.ShapeDtypeStruct((NC, np_, h), jnp.float32),
        mesh=_mesh(), compiler_params=_CP,
        scratch_types=[
            pltpu.VMEM((kpt, CHUNK), jnp.int32),
            pltpu.VMEM((kpt, CHUNK), jnp.int32),
            pltpu.VMEM((CHUNK, h), jnp.float32),
            pltpu.VMEM((CHUNK, h), jnp.float32),
            pltpu.VMEM((CHUNK, h), jnp.float32),
            pltpu.VMEM((CHUNK, h), jnp.float32),
            pltpu.VMEM_SHARED((np_, h), jnp.float32),
        ] + [pltpu.SemaphoreType.DMA] * 8,
    )
    return f(y, src_2d, dst_2d, zeros_2d)


def _tc_prep(x, w1, degp):
    def body(x_ref, w_ref, degp_ref, y_ref, dis_ref):
        deg = degp_ref[0, :] + degp_ref[1, :] + 1.0
        dis = lax.rsqrt(deg)[:, None]
        dis_ref[...] = dis
        xw = jnp.dot(x_ref[...], w_ref[...],
                     preferred_element_type=jnp.float32)
        y_ref[...] = xw * dis

    np_ = x.shape[0]
    h = w1.shape[1]
    return pl.pallas_call(
        body,
        out_shape=[
            jax.ShapeDtypeStruct((np_, h), jnp.float32),
            jax.ShapeDtypeStruct((np_, 1), jnp.float32),
        ],
    )(x, w1, degp)


def _tc_mid(s1, y1, dis, b1, w2):
    def body(s_ref, y_ref, dis_ref, b_ref, w_ref, o_ref):
        dis = dis_ref[...]
        h1 = jnp.maximum(
            dis * (s_ref[0] + s_ref[1] + y_ref[...]) + b_ref[...], 0.0)
        o_ref[...] = jnp.dot(h1, w_ref[...],
                             preferred_element_type=jnp.float32) * dis

    np_, h = y1.shape
    return pl.pallas_call(
        body,
        out_shape=jax.ShapeDtypeStruct((np_, w2.shape[1]), jnp.float32),
    )(s1, y1, dis, b1.reshape(1, -1), w2)


def _tc_head(s2, y2, dis, b2, wp1, bp1, wp2, bp2, n):
    def body(s_ref, y_ref, dis_ref, b_ref, wp1_ref, bp1_ref, wp2_ref,
             bp2_ref, o_ref):
        dis = dis_ref[...]
        out2 = jnp.maximum(
            dis * (s_ref[0] + s_ref[1] + y_ref[...]) + b_ref[...], 0.0)
        np_ = out2.shape[0]
        mask = lax.broadcasted_iota(jnp.int32, (np_, 1), 0) < n
        emb = jnp.sum(jnp.where(mask, out2, 0.0), axis=0, keepdims=True) / n
        z = jnp.maximum(
            jnp.dot(emb, wp1_ref[...], preferred_element_type=jnp.float32)
            + bp1_ref[...], 0.0)
        raw = jnp.dot(z, wp2_ref[...],
                      preferred_element_type=jnp.float32) + bp2_ref[...]
        o_ref[...] = 2.0 + 3.0 / (1.0 + jnp.exp(-raw))

    return pl.pallas_call(
        body,
        out_shape=jax.ShapeDtypeStruct((1, wp2.shape[1]), jnp.float32),
    )(s2, y2, dis, b2.reshape(1, -1), wp1, bp1.reshape(1, -1), wp2,
      bp2.reshape(1, -1))


def _ceil_to(v, m):
    return -(-v // m) * m


@jax.jit
def kernel(x, edge_index, W1, b1, W2, b2, Wp1, bp1, Wp2, bp2):
    n, d = x.shape
    h = W1.shape[1]
    e = edge_index.shape[1]

    np_ = _ceil_to(n, NS * 16)
    ep = _ceil_to(e, NC * NS * CHUNK * 8)
    npad = np_ - n
    epad = ep - e

    x_p = jnp.pad(x, ((0, npad), (0, 0)))
    pad_idx = n + (jnp.arange(epad, dtype=jnp.int32) % jnp.int32(max(npad, 1)))
    src = jnp.concatenate([edge_index[0].astype(jnp.int32), pad_idx])
    dst = jnp.concatenate([edge_index[1].astype(jnp.int32), pad_idx])
    src_2d = src.reshape(ep // CHUNK, CHUNK)
    dst_2d = dst.reshape(ep // CHUNK, CHUNK)

    ones_c = jnp.ones((CHUNK,), jnp.float32)
    zeros_n = jnp.zeros((np_,), jnp.float32)
    zeros_c = jnp.zeros((ZCH, h), jnp.float32)

    degp = _sc_degree(dst_2d, ones_c, zeros_n, np_, ep)

    y1, dis = _tc_prep(x_p, W1, degp)
    s1 = _sc_aggregate(y1, src_2d, dst_2d, zeros_c, np_, h, ep)

    y2 = _tc_mid(s1, y1, dis, b1, W2)
    s2 = _sc_aggregate(y2, src_2d, dst_2d, zeros_c, np_, h, ep)

    return _tc_head(s2, y2, dis, b2, Wp1, bp1, Wp2, bp2, n)

# --- scband reference (transcript-rebuilt; emitter-appended) ---
"""Pipeline reference for scband-sample-predictor-51264729645494 (READ-ONLY COPY).

The authoritative reference and input builder live on the scoring server;
editing this copy changes nothing except your own understanding.
"""

import jax, jax.numpy as jnp
import numpy as np


def gcn_conv(x, edge_index, W, b):
    # Faithful GCNConv: add self-loops, symmetric deg^-1/2 normalization, scatter-add aggregation.
    n = x.shape[0]
    loop = jnp.arange(n, dtype=edge_index.dtype)
    src = jnp.concatenate([edge_index[0], loop])
    dst = jnp.concatenate([edge_index[1], loop])
    deg = jnp.zeros((n,), x.dtype).at[dst].add(1.0)
    dis = jnp.where(deg > 0, deg ** -0.5, 0.0)
    norm = dis[src] * dis[dst]
    xw = x @ W
    msgs = xw[src] * norm[:, None]
    out = jnp.zeros((n, W.shape[1]), x.dtype).at[dst].add(msgs)
    return out + b


def setup_inputs(seed: int = 0) -> dict:
    key = jax.random.key(seed)
    ks = jax.random.split(key, 10)
    n, d, h = 10000, 128, 64
    e = 320000
    x = jax.random.normal(ks[0], (n, d), jnp.float32)
    edge_index = jax.random.randint(ks[1], (2, e), 0, n, dtype=jnp.int32)
    W1 = jax.random.normal(ks[2], (d, h), jnp.float32) * (1.0 / np.sqrt(d))
    b1 = jnp.zeros((h,), jnp.float32)
    W2 = jax.random.normal(ks[3], (h, h), jnp.float32) * (1.0 / np.sqrt(h))
    b2 = jnp.zeros((h,), jnp.float32)
    Wp1 = jax.random.normal(ks[4], (h, 32), jnp.float32) * (1.0 / np.sqrt(h))
    bp1 = jnp.zeros((32,), jnp.float32)
    Wp2 = jax.random.normal(ks[5], (32, 2), jnp.float32) * (1.0 / np.sqrt(32))
    bp2 = jnp.zeros((2,), jnp.float32)
    return {"x": x, "edge_index": edge_index, "W1": W1, "b1": b1, "W2": W2, "b2": b2,
            "Wp1": Wp1, "bp1": bp1, "Wp2": Wp2, "bp2": bp2}


def reference(x, edge_index, W1, b1, W2, b2, Wp1, bp1, Wp2, bp2):
    h1 = jax.nn.relu(gcn_conv(x, edge_index, W1, b1))
    h2 = jax.nn.relu(gcn_conv(h1, edge_index, W2, b2))
    # single graph: batch = zeros -> global_mean_pool is mean over all nodes
    emb = jnp.mean(h2, axis=0, keepdims=True)
    raw = jax.nn.relu(emb @ Wp1 + bp1) @ Wp2 + bp2
    log_n = 2.0 + jax.nn.sigmoid(raw) * 3.0
    return log_n

if __name__ == "__main__":
    import jax
    _d = setup_inputs()
    print(jax.jit(kernel)(*tuple(_d.values())))

</pallas_src>

<mosaic_0001>
#map = affine_map<(d0, d1) -> (0, 0)>
#map1 = affine_map<(d0, d1) -> (0)>
module attributes {stable_mosaic.version = 14 : i64} {
  func.func @body(%arg0: i32, %arg1: i32, %arg2: memref<1280x256xi32, #tpu.memory_space<hbm>>, %arg3: memref<256xf32, #tpu.memory_space<hbm>>, %arg4: memref<10240xf32, #tpu.memory_space<hbm>>, %arg5: memref<2x10240xf32, #tpu.memory_space<hbm>>, %arg6: memref<40x256xi32, #tpu.memory_space<vmem>>, %arg7: memref<256xf32, #tpu.memory_space<vmem>>, %arg8: memref<10240xf32, #tpu.memory_space<vmem_shared>>) attributes {dimension_semantics = [#tpu.dimension_semantics<core_parallel>, #tpu.dimension_semantics<subcore_parallel>], iteration_bounds = array<i64: 2, 16>, scalar_prefetch = 0 : i64, scratch_operands = 3 : i64, tpu.core_type = #tpu.core_type<sc_vector_subcore>, window_params = [{transform_indices = #map}, {transform_indices = #map1}, {transform_indices = #map1}, {transform_indices = #map}]} {
    %mul3A = arith.constant 16 : i32
    %mul3A_0 = arith.muli %arg0, %mul3A : i32
    %add3A = arith.addi %mul3A_0, %arg1 : i32
    %mul3A_1 = arith.constant 40 : i32
    %mul3A_2 = arith.muli %add3A, %mul3A_1 : i32
    "tpu.region"() ({
      %run_scoped3A = tpu.sem_alloc : memref<!tpu.dma_semaphore, #tpu.memory_space<semaphore_mem>>
      %dma_start3A = arith.constant 0 : i32
      %dma_start3A_16 = tpu.memref_slice %arg2[%mul3A_2, %dma_start3A] : memref<1280x256xi32, #tpu.memory_space<hbm>> -> memref<40x256xi32, #tpu.memory_space<hbm>>
      %dma_start3A_17 = arith.constant 0 : i32
      %dma_start3A_18 = tpu.memref_slice %arg2[%mul3A_2, %dma_start3A_17] : memref<1280x256xi32, #tpu.memory_space<hbm>> -> memref<40x256xi32, #tpu.memory_space<hbm>>
      tpu.enqueue_dma source(%dma_start3A_18 : memref<40x256xi32, #tpu.memory_space<hbm>>) target(%arg6 : memref<40x256xi32, #tpu.memory_space<vmem>>) target_semaphore(%run_scoped3A : memref<!tpu.dma_semaphore, #tpu.memory_space<semaphore_mem>>)
      %dma_wait3A = arith.constant 0 : i32
      %dma_wait3A_19 = tpu.memref_slice %arg2[%mul3A_2, %dma_wait3A] : memref<1280x256xi32, #tpu.memory_space<hbm>> -> memref<40x256xi32, #tpu.memory_space<hbm>>
      %dma_wait3A_20 = arith.constant 0 : i32
      %dma_wait3A_21 = tpu.memref_slice %arg2[%mul3A_2, %dma_wait3A_20] : memref<1280x256xi32, #tpu.memory_space<hbm>> -> memref<40x256xi32, #tpu.memory_space<hbm>>
      tpu.wait_dma2 semaphore(%run_scoped3A : memref<!tpu.dma_semaphore, #tpu.memory_space<semaphore_mem>>) src(%dma_wait3A_21 : memref<40x256xi32, #tpu.memory_space<hbm>>) dst(%arg6 : memref<40x256xi32, #tpu.memory_space<vmem>>)
      tpu.yield
    }) : () -> ()
    "tpu.region"() ({
      %run_scoped3A = tpu.sem_alloc : memref<!tpu.dma_semaphore, #tpu.memory_space<semaphore_mem>>
      tpu.enqueue_dma source(%arg3 : memref<256xf32, #tpu.memory_space<hbm>>) target(%arg7 : memref<256xf32, #tpu.memory_space<vmem>>) target_semaphore(%run_scoped3A : memref<!tpu.dma_semaphore, #tpu.memory_space<semaphore_mem>>)
      tpu.wait_dma2 semaphore(%run_scoped3A : memref<!tpu.dma_semaphore, #tpu.memory_space<semaphore_mem>>) src(%arg3 : memref<256xf32, #tpu.memory_space<hbm>>) dst(%arg7 : memref<256xf32, #tpu.memory_space<vmem>>)
      tpu.yield
    }) : () -> ()
    %mul3A_3 = arith.constant 640 : i32
    %mul3A_4 = arith.muli %arg1, %mul3A_3 : i32
    %mul3A_5 = arith.constant 640 : i32
    %mul3A_6 = arith.muli %arg1, %mul3A_5 : i32
    "tpu.region"() ({
      %run_scoped3A = tpu.sem_alloc : memref<!tpu.dma_semaphore, #tpu.memory_space<semaphore_mem>>
      %dma_start3A = tpu.memref_slice %arg8[%mul3A_6] : memref<10240xf32, #tpu.memory_space<vmem_shared>> -> memref<640xf32, #tpu.memory_space<vmem_shared>>
      %dma_start3A_16 = tpu.memref_slice %arg4[%mul3A_4] : memref<10240xf32, #tpu.memory_space<hbm>> -> memref<640xf32, #tpu.memory_space<hbm>>
      tpu.enqueue_dma source(%dma_start3A_16 : memref<640xf32, #tpu.memory_space<hbm>>) target(%dma_start3A : memref<640xf32, #tpu.memory_space<vmem_shared>>) target_semaphore(%run_scoped3A : memref<!tpu.dma_semaphore, #tpu.memory_space<semaphore_mem>>)
      %dma_wait3A = tpu.memref_slice %arg8[%mul3A_6] : memref<10240xf32, #tpu.memory_space<vmem_shared>> -> memref<640xf32, #tpu.memory_space<vmem_shared>>
      %dma_wait3A_17 = tpu.memref_slice %arg4[%mul3A_4] : memref<10240xf32, #tpu.memory_space<hbm>> -> memref<640xf32, #tpu.memory_space<hbm>>
      tpu.wait_dma2 semaphore(%run_scoped3A : memref<!tpu.dma_semaphore, #tpu.memory_space<semaphore_mem>>) src(%dma_wait3A_17 : memref<640xf32, #tpu.memory_space<hbm>>) dst(%dma_wait3A : memref<640xf32, #tpu.memory_space<vmem_shared>>)
      tpu.yield
    }) : () -> ()
    %barrier3A = arith.constant 0 : index
    tpu.barrier barrier_id(%barrier3A)
    %scan3A = arith.constant 0 : i32
    %scan3A_7 = arith.constant 40 : i32
    %scan3A_8 = arith.addi %scan3A, %scan3A_7 : i32
    %scan3A_9 = arith.constant 1 : i32
    scf.for %scan3A_16 = %scan3A to %scan3A_8 step %scan3A_9  : i32 {
      "tpu.region"() ({
        %run_scoped3A = tpu.sem_alloc : memref<!tpu.dma_semaphore, #tpu.memory_space<semaphore_mem>>
        %dma_start3A = arith.constant 0 : i32
        %dma_start3A_17 = tpu.memref_slice %arg6[%scan3A_16, %dma_start3A] : memref<40x256xi32, #tpu.memory_space<vmem>> -> memref<1x256xi32, #tpu.memory_space<vmem>>
        %dma_start3A_18 = tpu.memref_squeeze %dma_start3A_17 : memref<1x256xi32, #tpu.memory_space<vmem>> -> memref<256xi32, #tpu.memory_space<vmem>>
        %dma_start3A_19 = arith.constant 0 : i32
        %dma_start3A_20 = tpu.memref_slice %arg8[%dma_start3A_19] : memref<10240xf32, #tpu.memory_space<vmem_shared>> -> memref<10240xf32, #tpu.memory_space<vmem_shared>>
        tpu.enqueue_indirect_dma source(%arg7 : memref<256xf32, #tpu.memory_space<vmem>>) target(%dma_start3A_20 : memref<10240xf32, #tpu.memory_space<vmem_shared>>) offsets(%dma_start3A_18 : memref<256xi32, #tpu.memory_space<vmem>>) semaphore(%run_scoped3A : memref<!tpu.dma_semaphore, #tpu.memory_space<semaphore_mem>>) {add = true}
        %dma_wait3A = arith.constant 0 : i32
        %dma_wait3A_21 = tpu.memref_slice %arg6[%scan3A_16, %dma_wait3A] : memref<40x256xi32, #tpu.memory_space<vmem>> -> memref<1x256xi32, #tpu.memory_space<vmem>>
        %dma_wait3A_22 = tpu.memref_squeeze %dma_wait3A_21 : memref<1x256xi32, #tpu.memory_space<vmem>> -> memref<256xi32, #tpu.memory_space<vmem>>
        %dma_wait3A_23 = arith.constant 0 : i32
        %dma_wait3A_24 = tpu.memref_slice %arg8[%dma_wait3A_23] : memref<10240xf32, #tpu.memory_space<vmem_shared>> -> memref<10240xf32, #tpu.memory_space<vmem_shared>>
        tpu.wait_indirect_dma semaphore(%run_scoped3A : memref<!tpu.dma_semaphore, #tpu.memory_space<semaphore_mem>>) src(%arg7 : memref<256xf32, #tpu.memory_space<vmem>>) dst(%dma_wait3A_24 : memref<10240xf32, #tpu.memory_space<vmem_shared>>)
        tpu.yield
      }) : () -> ()
    }
    %scan3A_10 = arith.constant 40 : i32
    %barrier3A_11 = arith.constant 0 : index
    tpu.barrier barrier_id(%barrier3A_11)
    %mul3A_12 = arith.constant 640 : i32
    %mul3A_13 = arith.muli %arg1, %mul3A_12 : i32
    %mul3A_14 = arith.constant 640 : i32
    %mul3A_15 = arith.muli %arg1, %mul3A_14 : i32
    "tpu.region"() ({
      %run_scoped3A = tpu.sem_alloc : memref<!tpu.dma_semaphore, #tpu.memory_space<semaphore_mem>>
      %dma_start3A = tpu.memref_slice %arg5[%arg0, %mul3A_15] : memref<2x10240xf32, #tpu.memory_space<hbm>> -> memref<1x640xf32, #tpu.memory_space<hbm>>
      %dma_start3A_16 = tpu.memref_squeeze %dma_start3A : memref<1x640xf32, #tpu.memory_space<hbm>> -> memref<640xf32, #tpu.memory_space<hbm>>
      %dma_start3A_17 = tpu.memref_slice %arg8[%mul3A_13] : memref<10240xf32, #tpu.memory_space<vmem_shared>> -> memref<640xf32, #tpu.memory_space<vmem_shared>>
      tpu.enqueue_dma source(%dma_start3A_17 : memref<640xf32, #tpu.memory_space<vmem_shared>>) target(%dma_start3A_16 : memref<640xf32, #tpu.memory_space<hbm>>) target_semaphore(%run_scoped3A : memref<!tpu.dma_semaphore, #tpu.memory_space<semaphore_mem>>)
      %dma_wait3A = tpu.memref_slice %arg5[%arg0, %mul3A_15] : memref<2x10240xf32, #tpu.memory_space<hbm>> -> memref<1x640xf32, #tpu.memory_space<hbm>>
      %dma_wait3A_18 = tpu.memref_squeeze %dma_wait3A : memref<1x640xf32, #tpu.memory_space<hbm>> -> memref<640xf32, #tpu.memory_space<hbm>>
      %dma_wait3A_19 = tpu.memref_slice %arg8[%mul3A_13] : memref<10240xf32, #tpu.memory_space<vmem_shared>> -> memref<640xf32, #tpu.memory_space<vmem_shared>>
      tpu.wait_dma2 semaphore(%run_scoped3A : memref<!tpu.dma_semaphore, #tpu.memory_space<semaphore_mem>>) src(%dma_wait3A_19 : memref<640xf32, #tpu.memory_space<vmem_shared>>) dst(%dma_wait3A_18 : memref<640xf32, #tpu.memory_space<hbm>>)
      tpu.yield
    }) : () -> ()
    return
  }
}

#map = affine_map<(d0, d1) -> (0, 0)>
#map1 = affine_map<(d0, d1) -> (0, 0, 0)>
module attributes {stable_mosaic.version = 14 : i64} {
  func.func @body(%arg0: i32, %arg1: i32, %arg2: memref<10240x64xf32, #tpu.memory_space<hbm>>, %arg3: memref<1280x256xi32, #tpu.memory_space<hbm>>, %arg4: memref<1280x256xi32, #tpu.memory_space<hbm>>, %arg5: memref<128x64xf32, #tpu.memory_space<hbm>>, %arg6: memref<2x10240x64xf32, #tpu.memory_space<hbm>>, %arg7: memref<40x256xi32, #tpu.memory_space<vmem>>, %arg8: memref<40x256xi32, #tpu.memory_space<vmem>>, %arg9: memref<256x64xf32, #tpu.memory_space<vmem>>, %arg10: memref<256x64xf32, #tpu.memory_space<vmem>>, %arg11: memref<256x64xf32, #tpu.memory_space<vmem>>, %arg12: memref<256x64xf32, #tpu.memory_space<vmem>>, %arg13: memref<10240x64xf32, #tpu.memory_space<vmem_shared>>, %arg14: memref<!tpu.dma_semaphore, #tpu.memory_space<semaphore_mem>>, %arg15: memref<!tpu.dma_semaphore, #tpu.memory_space<semaphore_mem>>, %arg16: memref<!tpu.dma_semaphore, #tpu.memory_space<semaphore_mem>>, %arg17: memref<!tpu.dma_semaphore, #tpu.memory_space<semaphore_mem>>, %arg18: memref<!tpu.dma_semaphore, #tpu.memory_space<semaphore_mem>>, %arg19: memref<!tpu.dma_semaphore, #tpu.memory_space<semaphore_mem>>, %arg20: memref<!tpu.dma_semaphore, #tpu.memory_space<semaphore_mem>>, %arg21: memref<!tpu.dma_semaphore, #tpu.memory_space<semaphore_mem>>) attributes {dimension_semantics = [#tpu.dimension_semantics<core_parallel>, #tpu.dimension_semantics<subcore_parallel>], iteration_bounds = array<i64: 2, 16>, scalar_prefetch = 0 : i64, scratch_operands = 15 : i64, tpu.core_type = #tpu.core_type<sc_vector_subcore>, window_params = [{transform_indices = #map}, {transform_indices = #map}, {transform_indices = #map}, {transform_indices = #map}, {transform_indices = #map1}]} {
    %mul3A = arith.constant 16 : i32
    %mul3A_0 = arith.muli %arg0, %mul3A : i32
    %add3A = arith.addi %mul3A_0, %arg1 : i32
    %mul3A_1 = arith.constant 40 : i32
    %mul3A_2 = arith.muli %add3A, %mul3A_1 : i32
    "tpu.region"() ({
      %run_scoped3A = tpu.sem_alloc : memref<!tpu.dma_semaphore, #tpu.memory_space<semaphore_mem>>
      %dma_start3A_144 = arith.constant 0 : i32
      %dma_start3A_145 = tpu.memref_slice %arg3[%mul3A_2, %dma_start3A_144] : memref<1280x256xi32, #tpu.memory_space<hbm>> -> memref<40x256xi32, #tpu.memory_space<hbm>>
      %dma_start3A_146 = arith.constant 0 : i32
      %dma_start3A_147 = tpu.memref_slice %arg3[%mul3A_2, %dma_start3A_146] : memref<1280x256xi32, #tpu.memory_space<hbm>> -> memref<40x256xi32, #tpu.memory_space<hbm>>
      tpu.enqueue_dma source(%dma_start3A_147 : memref<40x256xi32, #tpu.memory_space<hbm>>) target(%arg7 : memref<40x256xi32, #tpu.memory_space<vmem>>) target_semaphore(%run_scoped3A : memref<!tpu.dma_semaphore, #tpu.memory_space<semaphore_mem>>)
      %dma_wait3A_148 = arith.constant 0 : i32
      %dma_wait3A_149 = tpu.memref_slice %arg3[%mul3A_2, %dma_wait3A_148] : memref<1280x256xi32, #tpu.memory_space<hbm>> -> memref<40x256xi32, #tpu.memory_space<hbm>>
      %dma_wait3A_150 = arith.constant 0 : i32
      %dma_wait3A_151 = tpu.memref_slice %arg3[%mul3A_2, %dma_wait3A_150] : memref<1280x256xi32, #tpu.memory_space<hbm>> -> memref<40x256xi32, #tpu.memory_space<hbm>>
      tpu.wait_dma2 semaphore(%run_scoped3A : memref<!tpu.dma_semaphore, #tpu.memory_space<semaphore_mem>>) src(%dma_wait3A_151 : memref<40x256xi32, #tpu.memory_space<hbm>>) dst(%arg7 : memref<40x256xi32, #tpu.memory_space<vmem>>)
      tpu.yield
    }) : () -> ()
    %mul3A_3 = arith.constant 40 : i32
    %mul3A_4 = arith.muli %add3A, %mul3A_3 : i32
    "tpu.region"() ({
      %run_scoped3A = tpu.sem_alloc : memref<!tpu.dma_semaphore, #tpu.memory_space<semaphore_mem>>
      %dma_start3A_144 = arith.constant 0 : i32
      %dma_start3A_145 = tpu.memref_slice %arg4[%mul3A_4, %dma_start3A_144] : memref<1280x256xi32, #tpu.memory_space<hbm>> -> memref<40x256xi32, #tpu.memory_space<hbm>>
      %dma_start3A_146 = arith.constant 0 : i32
      %dma_start3A_147 = tpu.memref_slice %arg4[%mul3A_4, %dma_start3A_146] : memref<1280x256xi32, #tpu.memory_space<hbm>> -> memref<40x256xi32, #tpu.memory_space<hbm>>
      tpu.enqueue_dma source(%dma_start3A_147 : memref<40x256xi32, #tpu.memory_space<hbm>>) target(%arg8 : memref<40x256xi32, #tpu.memory_space<vmem>>) target_semaphore(%run_scoped3A : memref<!tpu.dma_semaphore, #tpu.memory_space<semaphore_mem>>)
      %dma_wait3A_148 = arith.constant 0 : i32
      %dma_wait3A_149 = tpu.memref_slice %arg4[%mul3A_4, %dma_wait3A_148] : memref<1280x256xi32, #tpu.memory_space<hbm>> -> memref<40x256xi32, #tpu.memory_space<hbm>>
      %dma_wait3A_150 = arith.constant 0 : i32
      %dma_wait3A_151 = tpu.memref_slice %arg4[%mul3A_4, %dma_wait3A_150] : memref<1280x256xi32, #tpu.memory_space<hbm>> -> memref<40x256xi32, #tpu.memory_space<hbm>>
      tpu.wait_dma2 semaphore(%run_scoped3A : memref<!tpu.dma_semaphore, #tpu.memory_space<semaphore_mem>>) src(%dma_wait3A_151 : memref<40x256xi32, #tpu.memory_space<hbm>>) dst(%arg8 : memref<40x256xi32, #tpu.memory_space<vmem>>)
      tpu.yield
    }) : () -> ()
    "tpu.region"() ({
      %run_scoped3A = tpu.sem_alloc : memref<!tpu.dma_semaphore, #tpu.memory_space<semaphore_mem>>
      %dma_start3A_144 = arith.constant 0 : i32
      %dma_start3A_145 = arith.constant 0 : i32
      %dma_start3A_146 = tpu.memref_slice %arg9[%dma_start3A_144, %dma_start3A_145] : memref<256x64xf32, #tpu.memory_space<vmem>> -> memref<128x64xf32, #tpu.memory_space<vmem>>
      %dma_start3A_147 = arith.constant 0 : i32
      %dma_start3A_148 = arith.constant 0 : i32
      %dma_start3A_149 = tpu.memref_slice %arg9[%dma_start3A_147, %dma_start3A_148] : memref<256x64xf32, #tpu.memory_space<vmem>> -> memref<128x64xf32, #tpu.memory_space<vmem>>
      tpu.enqueue_dma source(%arg5 : memref<128x64xf32, #tpu.memory_space<hbm>>) target(%dma_start3A_149 : memref<128x64xf32, #tpu.memory_space<vmem>>) target_semaphore(%run_scoped3A : memref<!tpu.dma_semaphore, #tpu.memory_space<semaphore_mem>>)
      %dma_wait3A_150 = arith.constant 0 : i32
      %dma_wait3A_151 = arith.constant 0 : i32
      %dma_wait3A_152 = tpu.memref_slice %arg9[%dma_wait3A_150, %dma_wait3A_151] : memref<256x64xf32, #tpu.memory_space<vmem>> -> memref<128x64xf32, #tpu.memory_space<vmem>>
      %dma_wait3A_153 = arith.constant 0 : i32
      %dma_wait3A_154 = arith.constant 0 : i32
      %dma_wait3A_155 = tpu.memref_slice %arg9[%dma_wait3A_153, %dma_wait3A_154] : memref<256x64xf32, #tpu.memory_space<vmem>> -> memref<128x64xf32, #tpu.memory_space<vmem>>
      tpu.wait_dma2 semaphore(%run_scoped3A : memref<!tpu.dma_semaphore, #tpu.memory_space<semaphore_mem>>) src(%arg5 : memref<128x64xf32, #tpu.memory_space<hbm>>) dst(%dma_wait3A_155 : memref<128x64xf32, #tpu.memory_space<vmem>>)
      tpu.yield
    }) : () -> ()
    %mul3A_5 = arith.constant 640 : i32
    %mul3A_6 = arith.muli %arg1, %mul3A_5 : i32
    %add3A_7 = arith.constant 0 : i32
    %add3A_8 = arith.addi %mul3A_6, %add3A_7 : i32
    "tpu.region"() ({
      %run_scoped3A = tpu.sem_alloc : memref<!tpu.dma_semaphore, #tpu.memory_space<semaphore_mem>>
      %dma_start3A_144 = arith.constant 0 : i32
      %dma_start3A_145 = arith.constant 0 : i32
      %dma_start3A_146 = tpu.memref_slice %arg9[%dma_start3A_144, %dma_start3A_145] : memref<256x64xf32, #tpu.memory_space<vmem>> -> memref<128x64xf32, #tpu.memory_space<vmem>>
      %dma_start3A_147 = arith.constant 0 : i32
      %dma_start3A_148 = tpu.memref_slice %arg13[%add3A_8, %dma_start3A_147] : memref<10240x64xf32, #tpu.memory_space<vmem_shared>> -> memref<128x64xf32, #tpu.memory_space<vmem_shared>>
      %dma_start3A_149 = arith.constant 0 : i32
      %dma_start3A_150 = tpu.memref_slice %arg13[%add3A_8, %dma_start3A_149] : memref<10240x64xf32, #tpu.memory_space<vmem_shared>> -> memref<128x64xf32, #tpu.memory_space<vmem_shared>>
      %dma_start3A_151 = arith.constant 0 : i32
      %dma_start3A_152 = arith.constant 0 : i32
      %dma_start3A_153 = tpu.memref_slice %arg9[%dma_start3A_151, %dma_start3A_152] : memref<256x64xf32, #tpu.memory_space<vmem>> -> memref<128x64xf32, #tpu.memory_space<vmem>>
      tpu.enqueue_dma source(%dma_start3A_153 : memref<128x64xf32, #tpu.memory_space<vmem>>) target(%dma_start3A_150 : memref<128x64xf32, #tpu.memory_space<vmem_shared>>) target_semaphore(%run_scoped3A : memref<!tpu.dma_semaphore, #tpu.memory_space<semaphore_mem>>)
      %dma_wait3A_154 = arith.constant 0 : i32
      %dma_wait3A_155 = arith.constant 0 : i32
      %dma_wait3A_156 = tpu.memref_slice %arg9[%dma_wait3A_154, %dma_wait3A_155] : memref<256x64xf32, #tpu.memory_space<vmem>> -> memref<128x64xf32, #tpu.memory_space<vmem>>
      %dma_wait3A_157 = arith.constant 0 : i32
      %dma_wait3A_158 = tpu.memref_slice %arg13[%add3A_8, %dma_wait3A_157] : memref<10240x64xf32, #tpu.memory_space<vmem_shared>> -> memref<128x64xf32, #tpu.memory_space<vmem_shared>>
      %dma_wait3A_159 = arith.constant 0 : i32
      %dma_wait3A_160 = tpu.memref_slice %arg13[%add3A_8, %dma_wait3A_159] : memref<10240x64xf32, #tpu.memory_space<vmem_shared>> -> memref<128x64xf32, #tpu.memory_space<vmem_shared>>
      %dma_wait3A_161 = arith.constant 0 : i32
      %dma_wait3A_162 = arith.constant 0 : i32
      %dma_wait3A_163 = tpu.memref_slice %arg9[%dma_wait3A_161, %dma_wait3A_162] : memref<256x64xf32, #tpu.memory_space<vmem>> -> memref<128x64xf32, #tpu.memory_space<vmem>>
      tpu.wait_dma2 semaphore(%run_scoped3A : memref<!tpu.dma_semaphore, #tpu.memory_space<semaphore_mem>>) src(%dma_wait3A_163 : memref<128x64xf32, #tpu.memory_space<vmem>>) dst(%dma_wait3A_160 : memref<128x64xf32, #tpu.memory_space<vmem_shared>>)
      tpu.yield
    }) : () -> ()
    %mul3A_9 = arith.constant 640 : i32
    %mul3A_10 = arith.muli %arg1, %mul3A_9 : i32
    %add3A_11 = arith.constant 128 : i32
    %add3A_12 = arith.addi %mul3A_10, %add3A_11 : i32
    "tpu.region"() ({
      %run_scoped3A = tpu.sem_alloc : memref<!tpu.dma_semaphore, #tpu.memory_space<semaphore_mem>>
      %dma_start3A_144 = arith.constant 0 : i32
      %dma_start3A_145 = arith.constant 0 : i32
      %dma_start3A_146 = tpu.memref_slice %arg9[%dma_start3A_144, %dma_start3A_145] : memref<256x64xf32, #tpu.memory_space<vmem>> -> memref<128x64xf32, #tpu.memory_space<vmem>>
      %dma_start3A_147 = arith.constant 0 : i32
      %dma_start3A_148 = tpu.memref_slice %arg13[%add3A_12, %dma_start3A_147] : memref<10240x64xf32, #tpu.memory_space<vmem_shared>> -> memref<128x64xf32, #tpu.memory_space<vmem_shared>>
      %dma_start3A_149 = arith.constant 0 : i32
      %dma_start3A_150 = tpu.memref_slice %arg13[%add3A_12, %dma_start3A_149] : memref<10240x64xf32, #tpu.memory_space<vmem_shared>> -> memref<128x64xf32, #tpu.memory_space<vmem_shared>>
      %dma_start3A_151 = arith.constant 0 : i32
      %dma_start3A_152 = arith.constant 0 : i32
      %dma_start3A_153 = tpu.memref_slice %arg9[%dma_start3A_151, %dma_start3A_152] : memref<256x64xf32, #tpu.memory_space<vmem>> -> memref<128x64xf32, #tpu.memory_space<vmem>>
      tpu.enqueue_dma source(%dma_start3A_153 : memref<128x64xf32, #tpu.memory_space<vmem>>) target(%dma_start3A_150 : memref<128x64xf32, #tpu.memory_space<vmem_shared>>) target_semaphore(%run_scoped3A : memref<!tpu.dma_semaphore, #tpu.memory_space<semaphore_mem>>)
      %dma_wait3A_154 = arith.constant 0 : i32
      %dma_wait3A_155 = arith.constant 0 : i32
      %dma_wait3A_156 = tpu.memref_slice %arg9[%dma_wait3A_154, %dma_wait3A_155] : memref<256x64xf32, #tpu.memory_space<vmem>> -> memref<128x64xf32, #tpu.memory_space<vmem>>
      %dma_wait3A_157 = arith.constant 0 : i32
      %dma_wait3A_158 = tpu.memref_slice %arg13[%add3A_12, %dma_wait3A_157] : memref<10240x64xf32, #tpu.memory_space<vmem_shared>> -> memref<128x64xf32, #tpu.memory_space<vmem_shared>>
      %dma_wait3A_159 = arith.constant 0 : i32
      %dma_wait3A_160 = tpu.memref_slice %arg13[%add3A_12, %dma_wait3A_159] : memref<10240x64xf32, #tpu.memory_space<vmem_shared>> -> memref<128x64xf32, #tpu.memory_space<vmem_shared>>
      %dma_wait3A_161 = arith.constant 0 : i32
      %dma_wait3A_162 = arith.constant 0 : i32
      %dma_wait3A_163 = tpu.memref_slice %arg9[%dma_wait3A_161, %dma_wait3A_162] : memref<256x64xf32, #tpu.memory_space<vmem>> -> memref<128x64xf32, #tpu.memory_space<vmem>>
      tpu.wait_dma2 semaphore(%run_scoped3A : memref<!tpu.dma_semaphore, #tpu.memory_space<semaphore_mem>>) src(%dma_wait3A_163 : memref<128x64xf32, #tpu.memory_space<vmem>>) dst(%dma_wait3A_160 : memref<128x64xf32, #tpu.memory_space<vmem_shared>>)
      tpu.yield
    }) : () -> ()
    %mul3A_13 = arith.constant 640 : i32
    %mul3A_14 = arith.muli %arg1, %mul3A_13 : i32
    %add3A_15 = arith.constant 256 : i32
    %add3A_16 = arith.addi %mul3A_14, %add3A_15 : i32
    "tpu.region"() ({
      %run_scoped3A = tpu.sem_alloc : memref<!tpu.dma_semaphore, #tpu.memory_space<semaphore_mem>>
      %dma_start3A_144 = arith.constant 0 : i32
      %dma_start3A_145 = arith.constant 0 : i32
      %dma_start3A_146 = tpu.memref_slice %arg9[%dma_start3A_144, %dma_start3A_145] : memref<256x64xf32, #tpu.memory_space<vmem>> -> memref<128x64xf32, #tpu.memory_space<vmem>>
      %dma_start3A_147 = arith.constant 0 : i32
      %dma_start3A_148 = tpu.memref_slice %arg13[%add3A_16, %dma_start3A_147] : memref<10240x64xf32, #tpu.memory_space<vmem_shared>> -> memref<128x64xf32, #tpu.memory_space<vmem_shared>>
      %dma_start3A_149 = arith.constant 0 : i32
      %dma_start3A_150 = tpu.memref_slice %arg13[%add3A_16, %dma_start3A_149] : memref<10240x64xf32, #tpu.memory_space<vmem_shared>> -> memref<128x64xf32, #tpu.memory_space<vmem_shared>>
      %dma_start3A_151 = arith.constant 0 : i32
      %dma_start3A_152 = arith.constant 0 : i32
      %dma_start3A_153 = tpu.memref_slice %arg9[%dma_start3A_151, %dma_start3A_152] : memref<256x64xf32, #tpu.memory_space<vmem>> -> memref<128x64xf32, #tpu.memory_space<vmem>>
      tpu.enqueue_dma source(%dma_start3A_153 : memref<128x64xf32, #tpu.memory_space<vmem>>) target(%dma_start3A_150 : memref<128x64xf32, #tpu.memory_space<vmem_shared>>) target_semaphore(%run_scoped3A : memref<!tpu.dma_semaphore, #tpu.memory_space<semaphore_mem>>)
      %dma_wait3A_154 = arith.constant 0 : i32
      %dma_wait3A_155 = arith.constant 0 : i32
      %dma_wait3A_156 = tpu.memref_slice %arg9[%dma_wait3A_154, %dma_wait3A_155] : memref<256x64xf32, #tpu.memory_space<vmem>> -> memref<128x64xf32, #tpu.memory_space<vmem>>
      %dma_wait3A_157 = arith.constant 0 : i32
      %dma_wait3A_158 = tpu.memref_slice %arg13[%add3A_16, %dma_wait3A_157] : memref<10240x64xf32, #tpu.memory_space<vmem_shared>> -> memref<128x64xf32, #tpu.memory_space<vmem_shared>>
      %dma_wait3A_159 = arith.constant 0 : i32
      %dma_wait3A_160 = tpu.memref_slice %arg13[%add3A_16, %dma_wait3A_159] : memref<10240x64xf32, #tpu.memory_space<vmem_shared>> -> memref<128x64xf32, #tpu.memory_space<vmem_shared>>
      %dma_wait3A_161 = arith.constant 0 : i32
      %dma_wait3A_162 = arith.constant 0 : i32
      %dma_wait3A_163 = tpu.memref_slice %arg9[%dma_wait3A_161, %dma_wait3A_162] : memref<256x64xf32, #tpu.memory_space<vmem>> -> memref<128x64xf32, #tpu.memory_space<vmem>>
      tpu.wait_dma2 semaphore(%run_scoped3A : memref<!tpu.dma_semaphore, #tpu.memory_space<semaphore_mem>>) src(%dma_wait3A_163 : memref<128x64xf32, #tpu.memory_space<vmem>>) dst(%dma_wait3A_160 : memref<128x64xf32, #tpu.memory_space<vmem_shared>>)
      tpu.yield
    }) : () -> ()
    %mul3A_17 = arith.constant 640 : i32
    %mul3A_18 = arith.muli %arg1, %mul3A_17 : i32
    %add3A_19 = arith.constant 384 : i32
    %add3A_20 = arith.addi %mul3A_18, %add3A_19 : i32
    "tpu.region"() ({
      %run_scoped3A = tpu.sem_alloc : memref<!tpu.dma_semaphore, #tpu.memory_space<semaphore_mem>>
      %dma_start3A_144 = arith.constant 0 : i32
      %dma_start3A_145 = arith.constant 0 : i32
      %dma_start3A_146 = tpu.memref_slice %arg9[%dma_start3A_144, %dma_start3A_145] : memref<256x64xf32, #tpu.memory_space<vmem>> -> memref<128x64xf32, #tpu.memory_space<vmem>>
      %dma_start3A_147 = arith.constant 0 : i32
      %dma_start3A_148 = tpu.memref_slice %arg13[%add3A_20, %dma_start3A_147] : memref<10240x64xf32, #tpu.memory_space<vmem_shared>> -> memref<128x64xf32, #tpu.memory_space<vmem_shared>>
      %dma_start3A_149 = arith.constant 0 : i32
      %dma_start3A_150 = tpu.memref_slice %arg13[%add3A_20, %dma_start3A_149] : memref<10240x64xf32, #tpu.memory_space<vmem_shared>> -> memref<128x64xf32, #tpu.memory_space<vmem_shared>>
      %dma_start3A_151 = arith.constant 0 : i32
      %dma_start3A_152 = arith.constant 0 : i32
      %dma_start3A_153 = tpu.memref_slice %arg9[%dma_start3A_151, %dma_start3A_152] : memref<256x64xf32, #tpu.memory_space<vmem>> -> memref<128x64xf32, #tpu.memory_space<vmem>>
      tpu.enqueue_dma source(%dma_start3A_153 : memref<128x64xf32, #tpu.memory_space<vmem>>) target(%dma_start3A_150 : memref<128x64xf32, #tpu.memory_space<vmem_shared>>) target_semaphore(%run_scoped3A : memref<!tpu.dma_semaphore, #tpu.memory_space<semaphore_mem>>)
      %dma_wait3A_154 = arith.constant 0 : i32
      %dma_wait3A_155 = arith.constant 0 : i32
      %dma_wait3A_156 = tpu.memref_slice %arg9[%dma_wait3A_154, %dma_wait3A_155] : memref<256x64xf32, #tpu.memory_space<vmem>> -> memref<128x64xf32, #tpu.memory_space<vmem>>
      %dma_wait3A_157 = arith.constant 0 : i32
      %dma_wait3A_158 = tpu.memref_slice %arg13[%add3A_20, %dma_wait3A_157] : memref<10240x64xf32, #tpu.memory_space<vmem_shared>> -> memref<128x64xf32, #tpu.memory_space<vmem_shared>>
      %dma_wait3A_159 = arith.constant 0 : i32
      %dma_wait3A_160 = tpu.memref_slice %arg13[%add3A_20, %dma_wait3A_159] : memref<10240x64xf32, #tpu.memory_space<vmem_shared>> -> memref<128x64xf32, #tpu.memory_space<vmem_shared>>
      %dma_wait3A_161 = arith.constant 0 : i32
      %dma_wait3A_162 = arith.constant 0 : i32
      %dma_wait3A_163 = tpu.memref_slice %arg9[%dma_wait3A_161, %dma_wait3A_162] : memref<256x64xf32, #tpu.memory_space<vmem>> -> memref<128x64xf32, #tpu.memory_space<vmem>>
      tpu.wait_dma2 semaphore(%run_scoped3A : memref<!tpu.dma_semaphore, #tpu.memory_space<semaphore_mem>>) src(%dma_wait3A_163 : memref<128x64xf32, #tpu.memory_space<vmem>>) dst(%dma_wait3A_160 : memref<128x64xf32, #tpu.memory_space<vmem_shared>>)
      tpu.yield
    }) : () -> ()
    %mul3A_21 = arith.constant 640 : i32
    %mul3A_22 = arith.muli %arg1, %mul3A_21 : i32
    %add3A_23 = arith.constant 512 : i32
    %add3A_24 = arith.addi %mul3A_22, %add3A_23 : i32
    "tpu.region"() ({
      %run_scoped3A = tpu.sem_alloc : memref<!tpu.dma_semaphore, #tpu.memory_space<semaphore_mem>>
      %dma_start3A_144 = arith.constant 0 : i32
      %dma_start3A_145 = arith.constant 0 : i32
      %dma_start3A_146 = tpu.memref_slice %arg9[%dma_start3A_144, %dma_start3A_145] : memref<256x64xf32, #tpu.memory_space<vmem>> -> memref<128x64xf32, #tpu.memory_space<vmem>>
      %dma_start3A_147 = arith.constant 0 : i32
      %dma_start3A_148 = tpu.memref_slice %arg13[%add3A_24, %dma_start3A_147] : memref<10240x64xf32, #tpu.memory_space<vmem_shared>> -> memref<128x64xf32, #tpu.memory_space<vmem_shared>>
      %dma_start3A_149 = arith.constant 0 : i32
      %dma_start3A_150 = tpu.memref_slice %arg13[%add3A_24, %dma_start3A_149] : memref<10240x64xf32, #tpu.memory_space<vmem_shared>> -> memref<128x64xf32, #tpu.memory_space<vmem_shared>>
      %dma_start3A_151 = arith.constant 0 : i32
      %dma_start3A_152 = arith.constant 0 : i32
      %dma_start3A_153 = tpu.memref_slice %arg9[%dma_start3A_151, %dma_start3A_152] : memref<256x64xf32, #tpu.memory_space<vmem>> -> memref<128x64xf32, #tpu.memory_space<vmem>>
      tpu.enqueue_dma source(%dma_start3A_153 : memref<128x64xf32, #tpu.memory_space<vmem>>) target(%dma_start3A_150 : memref<128x64xf32, #tpu.memory_space<vmem_shared>>) target_semaphore(%run_scoped3A : memref<!tpu.dma_semaphore, #tpu.memory_space<semaphore_mem>>)
      %dma_wait3A_154 = arith.constant 0 : i32
      %dma_wait3A_155 = arith.constant 0 : i32
      %dma_wait3A_156 = tpu.memref_slice %arg9[%dma_wait3A_154, %dma_wait3A_155] : memref<256x64xf32, #tpu.memory_space<vmem>> -> memref<128x64xf32, #tpu.memory_space<vmem>>
      %dma_wait3A_157 = arith.constant 0 : i32
      %dma_wait3A_158 = tpu.memref_slice %arg13[%add3A_24, %dma_wait3A_157] : memref<10240x64xf32, #tpu.memory_space<vmem_shared>> -> memref<128x64xf32, #tpu.memory_space<vmem_shared>>
      %dma_wait3A_159 = arith.constant 0 : i32
      %dma_wait3A_160 = tpu.memref_slice %arg13[%add3A_24, %dma_wait3A_159] : memref<10240x64xf32, #tpu.memory_space<vmem_shared>> -> memref<128x64xf32, #tpu.memory_space<vmem_shared>>
      %dma_wait3A_161 = arith.constant 0 : i32
      %dma_wait3A_162 = arith.constant 0 : i32
      %dma_wait3A_163 = tpu.memref_slice %arg9[%dma_wait3A_161, %dma_wait3A_162] : memref<256x64xf32, #tpu.memory_space<vmem>> -> memref<128x64xf32, #tpu.memory_space<vmem>>
      tpu.wait_dma2 semaphore(%run_scoped3A : memref<!tpu.dma_semaphore, #tpu.memory_space<semaphore_mem>>) src(%dma_wait3A_163 : memref<128x64xf32, #tpu.memory_space<vmem>>) dst(%dma_wait3A_160 : memref<128x64xf32, #tpu.memory_space<vmem_shared>>)
      tpu.yield
    }) : () -> ()
    %barrier3A = arith.constant 0 : index
    tpu.barrier barrier_id(%barrier3A)
    %dma_start3A = arith.constant 0 : i32
    %dma_start3A_25 = arith.constant 0 : i32
    %dma_start3A_26 = tpu.memref_slice %arg7[%dma_start3A, %dma_start3A_25] : memref<40x256xi32, #tpu.memory_space<vmem>> -> memref<1x256xi32, #tpu.memory_space<vmem>>
    %dma_start3A_27 = tpu.memref_squeeze %dma_start3A_26 : memref<1x256xi32, #tpu.memory_space<vmem>> -> memref<256xi32, #tpu.memory_space<vmem>>
    %dma_start3A_28 = arith.constant 0 : i32
    %dma_start3A_29 = arith.constant 0 : i32
    %dma_start3A_30 = tpu.memref_slice %arg2[%dma_start3A_28, %dma_start3A_29] : memref<10240x64xf32, #tpu.memory_space<hbm>> -> memref<10240x64xf32, #tpu.memory_space<hbm>>
    tpu.enqueue_indirect_dma source(%dma_start3A_30 : memref<10240x64xf32, #tpu.memory_space<hbm>>) target(%arg9 : memref<256x64xf32, #tpu.memory_space<vmem>>) offsets(%dma_start3A_27 : memref<256xi32, #tpu.memory_space<vmem>>) semaphore(%arg14 : memref<!tpu.dma_semaphore, #tpu.memory_space<semaphore_mem>>)
    %dma_start3A_31 = arith.constant 1 : i32
    %dma_start3A_32 = arith.constant 0 : i32
    %dma_start3A_33 = tpu.memref_slice %arg7[%dma_start3A_31, %dma_start3A_32] : memref<40x256xi32, #tpu.memory_space<vmem>> -> memref<1x256xi32, #tpu.memory_space<vmem>>
    %dma_start3A_34 = tpu.memref_squeeze %dma_start3A_33 : memref<1x256xi32, #tpu.memory_space<vmem>> -> memref<256xi32, #tpu.memory_space<vmem>>
    %dma_start3A_35 = arith.constant 0 : i32
    %dma_start3A_36 = arith.constant 0 : i32
    %dma_start3A_37 = tpu.memref_slice %arg2[%dma_start3A_35, %dma_start3A_36] : memref<10240x64xf32, #tpu.memory_space<hbm>> -> memref<10240x64xf32, #tpu.memory_space<hbm>>
    tpu.enqueue_indirect_dma source(%dma_start3A_37 : memref<10240x64xf32, #tpu.memory_space<hbm>>) target(%arg10 : memref<256x64xf32, #tpu.memory_space<vmem>>) offsets(%dma_start3A_34 : memref<256xi32, #tpu.memory_space<vmem>>) semaphore(%arg15 : memref<!tpu.dma_semaphore, #tpu.memory_space<semaphore_mem>>)
    %dma_wait3A = arith.constant 0 : i32
    %dma_wait3A_38 = arith.constant 0 : i32
    %dma_wait3A_39 = tpu.memref_slice %arg7[%dma_wait3A, %dma_wait3A_38] : memref<40x256xi32, #tpu.memory_space<vmem>> -> memref<1x256xi32, #tpu.memory_space<vmem>>
    %dma_wait3A_40 = tpu.memref_squeeze %dma_wait3A_39 : memref<1x256xi32, #tpu.memory_space<vmem>> -> memref<256xi32, #tpu.memory_space<vmem>>
    %dma_wait3A_41 = arith.constant 0 : i32
    %dma_wait3A_42 = arith.constant 0 : i32
    %dma_wait3A_43 = tpu.memref_slice %arg2[%dma_wait3A_41, %dma_wait3A_42] : memref<10240x64xf32, #tpu.memory_space<hbm>> -> memref<10240x64xf32, #tpu.memory_space<hbm>>
    tpu.wait_indirect_dma semaphore(%arg14 : memref<!tpu.dma_semaphore, #tpu.memory_space<semaphore_mem>>) src(%dma_wait3A_43 : memref<10240x64xf32, #tpu.memory_space<hbm>>) dst(%arg9 : memref<256x64xf32, #tpu.memory_space<vmem>>)
    %dma_start3A_44 = arith.constant 0 : i32
    %dma_start3A_45 = arith.constant 0 : i32
    %dma_start3A_46 = tpu.memref_slice %arg8[%dma_start3A_44, %dma_start3A_45] : memref<40x256xi32, #tpu.memory_space<vmem>> -> memref<1x256xi32, #tpu.memory_space<vmem>>
    %dma_start3A_47 = tpu.memref_squeeze %dma_start3A_46 : memref<1x256xi32, #tpu.memory_space<vmem>> -> memref<256xi32, #tpu.memory_space<vmem>>
    %dma_start3A_48 = arith.constant 0 : i32
    %dma_start3A_49 = arith.constant 0 : i32
    %dma_start3A_50 = tpu.memref_slice %arg13[%dma_start3A_48, %dma_start3A_49] : memref<10240x64xf32, #tpu.memory_space<vmem_shared>> -> memref<10240x64xf32, #tpu.memory_space<vmem_shared>>
    tpu.enqueue_indirect_dma source(%arg9 : memref<256x64xf32, #tpu.memory_space<vmem>>) target(%dma_start3A_50 : memref<10240x64xf32, #tpu.memory_space<vmem_shared>>) offsets(%dma_start3A_47 : memref<256xi32, #tpu.memory_space<vmem>>) semaphore(%arg18 : memref<!tpu.dma_semaphore, #tpu.memory_space<semaphore_mem>>) {add = true}
    %dma_start3A_51 = arith.constant 2 : i32
    %dma_start3A_52 = arith.constant 0 : i32
    %dma_start3A_53 = tpu.memref_slice %arg7[%dma_start3A_51, %dma_start3A_52] : memref<40x256xi32, #tpu.memory_space<vmem>> -> memref<1x256xi32, #tpu.memory_space<vmem>>
    %dma_start3A_54 = tpu.memref_squeeze %dma_start3A_53 : memref<1x256xi32, #tpu.memory_space<vmem>> -> memref<256xi32, #tpu.memory_space<vmem>>
    %dma_start3A_55 = arith.constant 0 : i32
    %dma_start3A_56 = arith.constant 0 : i32
    %dma_start3A_57 = tpu.memref_slice %arg2[%dma_start3A_55, %dma_start3A_56] : memref<10240x64xf32, #tpu.memory_space<hbm>> -> memref<10240x64xf32, #tpu.memory_space<hbm>>
    tpu.enqueue_indirect_dma source(%dma_start3A_57 : memref<10240x64xf32, #tpu.memory_space<hbm>>) target(%arg11 : memref<256x64xf32, #tpu.memory_space<vmem>>) offsets(%dma_start3A_54 : memref<256xi32, #tpu.memory_space<vmem>>) semaphore(%arg16 : memref<!tpu.dma_semaphore, #tpu.memory_space<semaphore_mem>>)
    %dma_wait3A_58 = arith.constant 1 : i32
    %dma_wait3A_59 = arith.constant 0 : i32
    %dma_wait3A_60 = tpu.memref_slice %arg7[%dma_wait3A_58, %dma_wait3A_59] : memref<40x256xi32, #tpu.memory_space<vmem>> -> memref<1x256xi32, #tpu.memory_space<vmem>>
    %dma_wait3A_61 = tpu.memref_squeeze %dma_wait3A_60 : memref<1x256xi32, #tpu.memory_space<vmem>> -> memref<256xi32, #tpu.memory_space<vmem>>
    %dma_wait3A_62 = arith.constant 0 : i32
    %dma_wait3A_63 = arith.constant 0 : i32
    %dma_wait3A_64 = tpu.memref_slice %arg2[%dma_wait3A_62, %dma_wait3A_63] : memref<10240x64xf32, #tpu.memory_space<hbm>> -> memref<10240x64xf32, #tpu.memory_space<hbm>>
    tpu.wait_indirect_dma semaphore(%arg15 : memref<!tpu.dma_semaphore, #tpu.memory_space<semaphore_mem>>) src(%dma_wait3A_64 : memref<10240x64xf32, #tpu.memory_space<hbm>>) dst(%arg10 : memref<256x64xf32, #tpu.memory_space<vmem>>)
    %dma_start3A_65 = arith.constant 1 : i32
    %dma_start3A_66 = arith.constant 0 : i32
    %dma_start3A_67 = tpu.memref_slice %arg8[%dma_start3A_65, %dma_start3A_66] : memref<40x256xi32, #tpu.memory_space<vmem>> -> memref<1x256xi32, #tpu.memory_space<vmem>>
    %dma_start3A_68 = tpu.memref_squeeze %dma_start3A_67 : memref<1x256xi32, #tpu.memory_space<vmem>> -> memref<256xi32, #tpu.memory_space<vmem>>
    %dma_start3A_69 = arith.constant 0 : i32
    %dma_start3A_70 = arith.constant 0 : i32
    %dma_start3A_71 = tpu.memref_slice %arg13[%dma_start3A_69, %dma_start3A_70] : memref<10240x64xf32, #tpu.memory_space<vmem_shared>> -> memref<10240x64xf32, #tpu.memory_space<vmem_shared>>
    tpu.enqueue_indirect_dma source(%arg10 : memref<256x64xf32, #tpu.memory_space<vmem>>) target(%dma_start3A_71 : memref<10240x64xf32, #tpu.memory_space<vmem_shared>>) offsets(%dma_start3A_68 : memref<256xi32, #tpu.memory_space<vmem>>) semaphore(%arg19 : memref<!tpu.dma_semaphore, #tpu.memory_space<semaphore_mem>>) {add = true}
    %dma_start3A_72 = arith.constant 3 : i32
    %dma_start3A_73 = arith.constant 0 : i32
    %dma_start3A_74 = tpu.memref_slice %arg7[%dma_start3A_72, %dma_start3A_73] : memref<40x256xi32, #tpu.memory_space<vmem>> -> memref<1x256xi32, #tpu.memory_space<vmem>>
    %dma_start3A_75 = tpu.memref_squeeze %dma_start3A_74 : memref<1x256xi32, #tpu.memory_space<vmem>> -> memref<256xi32, #tpu.memory_space<vmem>>
    %dma_start3A_76 = arith.constant 0 : i32
    %dma_start3A_77 = arith.constant 0 : i32
    %dma_start3A_78 = tpu.memref_slice %arg2[%dma_start3A_76, %dma_start3A_77] : memref<10240x64xf32, #tpu.memory_space<hbm>> -> memref<10240x64xf32, #tpu.memory_space<hbm>>
    tpu.enqueue_indirect_dma source(%dma_start3A_78 : memref<10240x64xf32, #tpu.memory_space<hbm>>) target(%arg12 : memref<256x64xf32, #tpu.memory_space<vmem>>) offsets(%dma_start3A_75 : memref<256xi32, #tpu.memory_space<vmem>>) semaphore(%arg17 : memref<!tpu.dma_semaphore, #tpu.memory_space<semaphore_mem>>)
    %scan3A = arith.constant 0 : i32
    %scan3A_79 = arith.constant 9 : i32
    %scan3A_80 = arith.addi %scan3A, %scan3A_79 : i32
    %scan3A_81 = arith.constant 1 : i32
    scf.for %scan3A_144 = %scan3A to %scan3A_80 step %scan3A_81  : i32 {
      %mul3A_145 = arith.constant 4 : i32
      %mul3A_146 = arith.muli %mul3A_145, %scan3A_144 : i32
      %add3A_147 = arith.constant 2 : i32
      %add3A_148 = arith.addi %mul3A_146, %add3A_147 : i32
      %add3A_149 = arith.constant 0 : i32
      %add3A_150 = arith.addi %add3A_148, %add3A_149 : i32
      %dma_wait3A_151 = arith.constant 0 : i32
      %dma_wait3A_152 = tpu.memref_slice %arg7[%add3A_150, %dma_wait3A_151] : memref<40x256xi32, #tpu.memory_space<vmem>> -> memref<1x256xi32, #tpu.memory_space<vmem>>
      %dma_wait3A_153 = tpu.memref_squeeze %dma_wait3A_152 : memref<1x256xi32, #tpu.memory_space<vmem>> -> memref<256xi32, #tpu.memory_space<vmem>>
      %dma_wait3A_154 = arith.constant 0 : i32
      %dma_wait3A_155 = arith.constant 0 : i32
      %dma_wait3A_156 = tpu.memref_slice %arg2[%dma_wait3A_154, %dma_wait3A_155] : memref<10240x64xf32, #tpu.memory_space<hbm>> -> memref<10240x64xf32, #tpu.memory_space<hbm>>
      tpu.wait_indirect_dma semaphore(%arg16 : memref<!tpu.dma_semaphore, #tpu.memory_space<semaphore_mem>>) src(%dma_wait3A_156 : memref<10240x64xf32, #tpu.memory_space<hbm>>) dst(%arg11 : memref<256x64xf32, #tpu.memory_space<vmem>>)
      %dma_start3A_157 = arith.constant 0 : i32
      %dma_start3A_158 = tpu.memref_slice %arg8[%add3A_150, %dma_start3A_157] : memref<40x256xi32, #tpu.memory_space<vmem>> -> memref<1x256xi32, #tpu.memory_space<vmem>>
      %dma_start3A_159 = tpu.memref_squeeze %dma_start3A_158 : memref<1x256xi32, #tpu.memory_space<vmem>> -> memref<256xi32, #tpu.memory_space<vmem>>
      %dma_start3A_160 = arith.constant 0 : i32
      %dma_start3A_161 = arith.constant 0 : i32
      %dma_start3A_162 = tpu.memref_slice %arg13[%dma_start3A_160, %dma_start3A_161] : memref<10240x64xf32, #tpu.memory_space<vmem_shared>> -> memref<10240x64xf32, #tpu.memory_space<vmem_shared>>
      tpu.enqueue_indirect_dma source(%arg11 : memref<256x64xf32, #tpu.memory_space<vmem>>) target(%dma_start3A_162 : memref<10240x64xf32, #tpu.memory_space<vmem_shared>>) offsets(%dma_start3A_159 : memref<256xi32, #tpu.memory_space<vmem>>) semaphore(%arg20 : memref<!tpu.dma_semaphore, #tpu.memory_space<semaphore_mem>>) {add = true}
      %sub3A = arith.constant 2 : i32
      %sub3A_163 = arith.subi %add3A_150, %sub3A : i32
      %dma_wait3A_164 = arith.constant 0 : i32
      %dma_wait3A_165 = tpu.memref_slice %arg8[%sub3A_163, %dma_wait3A_164] : memref<40x256xi32, #tpu.memory_space<vmem>> -> memref<1x256xi32, #tpu.memory_space<vmem>>
      %dma_wait3A_166 = tpu.memref_squeeze %dma_wait3A_165 : memref<1x256xi32, #tpu.memory_space<vmem>> -> memref<256xi32, #tpu.memory_space<vmem>>
      %dma_wait3A_167 = arith.constant 0 : i32
      %dma_wait3A_168 = arith.constant 0 : i32
      %dma_wait3A_169 = tpu.memref_slice %arg13[%dma_wait3A_167, %dma_wait3A_168] : memref<10240x64xf32, #tpu.memory_space<vmem_shared>> -> memref<10240x64xf32, #tpu.memory_space<vmem_shared>>
      tpu.wait_indirect_dma semaphore(%arg18 : memref<!tpu.dma_semaphore, #tpu.memory_space<semaphore_mem>>) src(%arg9 : memref<256x64xf32, #tpu.memory_space<vmem>>) dst(%dma_wait3A_169 : memref<10240x64xf32, #tpu.memory_space<vmem_shared>>)
      %add3A_170 = arith.constant 2 : i32
      %add3A_171 = arith.addi %add3A_150, %add3A_170 : i32
      %dma_start3A_172 = arith.constant 0 : i32
      %dma_start3A_173 = tpu.memref_slice %arg7[%add3A_171, %dma_start3A_172] : memref<40x256xi32, #tpu.memory_space<vmem>> -> memref<1x256xi32, #tpu.memory_space<vmem>>
      %dma_start3A_174 = tpu.memref_squeeze %dma_start3A_173 : memref<1x256xi32, #tpu.memory_space<vmem>> -> memref<256xi32, #tpu.memory_space<vmem>>
      %dma_start3A_175 = arith.constant 0 : i32
      %dma_start3A_176 = arith.constant 0 : i32
      %dma_start3A_177 = tpu.memref_slice %arg2[%dma_start3A_175, %dma_start3A_176] : memref<10240x64xf32, #tpu.memory_space<hbm>> -> memref<10240x64xf32, #tpu.memory_space<hbm>>
      tpu.enqueue_indirect_dma source(%dma_start3A_177 : memref<10240x64xf32, #tpu.memory_space<hbm>>) target(%arg9 : memref<256x64xf32, #tpu.memory_space<vmem>>) offsets(%dma_start3A_174 : memref<256xi32, #tpu.memory_space<vmem>>) semaphore(%arg14 : memref<!tpu.dma_semaphore, #tpu.memory_space<semaphore_mem>>)
      %mul3A_178 = arith.constant 4 : i32
      %mul3A_179 = arith.muli %mul3A_178, %scan3A_144 : i32
      %add3A_180 = arith.constant 2 : i32
      %add3A_181 = arith.addi %mul3A_179, %add3A_180 : i32
      %add3A_182 = arith.constant 1 : i32
      %add3A_183 = arith.addi %add3A_181, %add3A_182 : i32
      %dma_wait3A_184 = arith.constant 0 : i32
      %dma_wait3A_185 = tpu.memref_slice %arg7[%add3A_183, %dma_wait3A_184] : memref<40x256xi32, #tpu.memory_space<vmem>> -> memref<1x256xi32, #tpu.memory_space<vmem>>
      %dma_wait3A_186 = tpu.memref_squeeze %dma_wait3A_185 : memref<1x256xi32, #tpu.memory_space<vmem>> -> memref<256xi32, #tpu.memory_space<vmem>>
      %dma_wait3A_187 = arith.constant 0 : i32
      %dma_wait3A_188 = arith.constant 0 : i32
      %dma_wait3A_189 = tpu.memref_slice %arg2[%dma_wait3A_187, %dma_wait3A_188] : memref<10240x64xf32, #tpu.memory_space<hbm>> -> memref<10240x64xf32, #tpu.memory_space<hbm>>
      tpu.wait_indirect_dma semaphore(%arg17 : memref<!tpu.dma_semaphore, #tpu.memory_space<semaphore_mem>>) src(%dma_wait3A_189 : memref<10240x64xf32, #tpu.memory_space<hbm>>) dst(%arg12 : memref<256x64xf32, #tpu.memory_space<vmem>>)
      %dma_start3A_190 = arith.constant 0 : i32
      %dma_start3A_191 = tpu.memref_slice %arg8[%add3A_183, %dma_start3A_190] : memref<40x256xi32, #tpu.memory_space<vmem>> -> memref<1x256xi32, #tpu.memory_space<vmem>>
      %dma_start3A_192 = tpu.memref_squeeze %dma_start3A_191 : memref<1x256xi32, #tpu.memory_space<vmem>> -> memref<256xi32, #tpu.memory_space<vmem>>
      %dma_start3A_193 = arith.constant 0 : i32
      %dma_start3A_194 = arith.constant 0 : i32
      %dma_start3A_195 = tpu.memref_slice %arg13[%dma_start3A_193, %dma_start3A_194] : memref<10240x64xf32, #tpu.memory_space<vmem_shared>> -> memref<10240x64xf32, #tpu.memory_space<vmem_shared>>
      tpu.enqueue_indirect_dma source(%arg12 : memref<256x64xf32, #tpu.memory_space<vmem>>) target(%dma_start3A_195 : memref<10240x64xf32, #tpu.memory_space<vmem_shared>>) offsets(%dma_start3A_192 : memref<256xi32, #tpu.memory_space<vmem>>) semaphore(%arg21 : memref<!tpu.dma_semaphore, #tpu.memory_space<semaphore_mem>>) {add = true}
      %sub3A_196 = arith.constant 2 : i32
      %sub3A_197 = arith.subi %add3A_183, %sub3A_196 : i32
      %dma_wait3A_198 = arith.constant 0 : i32
      %dma_wait3A_199 = tpu.memref_slice %arg8[%sub3A_197, %dma_wait3A_198] : memref<40x256xi32, #tpu.memory_space<vmem>> -> memref<1x256xi32, #tpu.memory_space<vmem>>
      %dma_wait3A_200 = tpu.memref_squeeze %dma_wait3A_199 : memref<1x256xi32, #tpu.memory_space<vmem>> -> memref<256xi32, #tpu.memory_space<vmem>>
      %dma_wait3A_201 = arith.constant 0 : i32
      %dma_wait3A_202 = arith.constant 0 : i32
      %dma_wait3A_203 = tpu.memref_slice %arg13[%dma_wait3A_201, %dma_wait3A_202] : memref<10240x64xf32, #tpu.memory_space<vmem_shared>> -> memref<10240x64xf32, #tpu.memory_space<vmem_shared>>
      tpu.wait_indirect_dma semaphore(%arg19 : memref<!tpu.dma_semaphore, #tpu.memory_space<semaphore_mem>>) src(%arg10 : memref<256x64xf32, #tpu.memory_space<vmem>>) dst(%dma_wait3A_203 : memref<10240x64xf32, #tpu.memory_space<vmem_shared>>)
      %add3A_204 = arith.constant 2 : i32
      %add3A_205 = arith.addi %add3A_183, %add3A_204 : i32
      %dma_start3A_206 = arith.constant 0 : i32
      %dma_start3A_207 = tpu.memref_slice %arg7[%add3A_205, %dma_start3A_206] : memref<40x256xi32, #tpu.memory_space<vmem>> -> memref<1x256xi32, #tpu.memory_space<vmem>>
      %dma_start3A_208 = tpu.memref_squeeze %dma_start3A_207 : memref<1x256xi32, #tpu.memory_space<vmem>> -> memref<256xi32, #tpu.memory_space<vmem>>
      %dma_start3A_209 = arith.constant 0 : i32
      %dma_start3A_210 = arith.constant 0 : i32
      %dma_start3A_211 = tpu.memref_slice %arg2[%dma_start3A_209, %dma_start3A_210] : memref<10240x64xf32, #tpu.memory_space<hbm>> -> memref<10240x64xf32, #tpu.memory_space<hbm>>
      tpu.enqueue_indirect_dma source(%dma_start3A_211 : memref<10240x64xf32, #tpu.memory_space<hbm>>) target(%arg10 : memref<256x64xf32, #tpu.memory_space<vmem>>) offsets(%dma_start3A_208 : memref<256xi32, #tpu.memory_space<vmem>>) semaphore(%arg15 : memref<!tpu.dma_semaphore, #tpu.memory_space<semaphore_mem>>)
      %mul3A_212 = arith.constant 4 : i32
      %mul3A_213 = arith.muli %mul3A_212, %scan3A_144 : i32
      %add3A_214 = arith.constant 2 : i32
      %add3A_215 = arith.addi %mul3A_213, %add3A_214 : i32
      %add3A_216 = arith.constant 2 : i32
      %add3A_217 = arith.addi %add3A_215, %add3A_216 : i32
      %dma_wait3A_218 = arith.constant 0 : i32
      %dma_wait3A_219 = tpu.memref_slice %arg7[%add3A_217, %dma_wait3A_218] : memref<40x256xi32, #tpu.memory_space<vmem>> -> memref<1x256xi32, #tpu.memory_space<vmem>>
      %dma_wait3A_220 = tpu.memref_squeeze %dma_wait3A_219 : memref<1x256xi32, #tpu.memory_space<vmem>> -> memref<256xi32, #tpu.memory_space<vmem>>
      %dma_wait3A_221 = arith.constant 0 : i32
      %dma_wait3A_222 = arith.constant 0 : i32
      %dma_wait3A_223 = tpu.memref_slice %arg2[%dma_wait3A_221, %dma_wait3A_222] : memref<10240x64xf32, #tpu.memory_space<hbm>> -> memref<10240x64xf32, #tpu.memory_space<hbm>>
      tpu.wait_indirect_dma semaphore(%arg14 : memref<!tpu.dma_semaphore, #tpu.memory_space<semaphore_mem>>) src(%dma_wait3A_223 : memref<10240x64xf32, #tpu.memory_space<hbm>>) dst(%arg9 : memref<256x64xf32, #tpu.memory_space<vmem>>)
      %dma_start3A_224 = arith.constant 0 : i32
      %dma_start3A_225 = tpu.memref_slice %arg8[%add3A_217, %dma_start3A_224] : memref<40x256xi32, #tpu.memory_space<vmem>> -> memref<1x256xi32, #tpu.memory_space<vmem>>
      %dma_start3A_226 = tpu.memref_squeeze %dma_start3A_225 : memref<1x256xi32, #tpu.memory_space<vmem>> -> memref<256xi32, #tpu.memory_space<vmem>>
      %dma_start3A_227 = arith.constant 0 : i32
      %dma_start3A_228 = arith.constant 0 : i32
      %dma_start3A_229 = tpu.memref_slice %arg13[%dma_start3A_227, %dma_start3A_228] : memref<10240x64xf32, #tpu.memory_space<vmem_shared>> -> memref<10240x64xf32, #tpu.memory_space<vmem_shared>>
      tpu.enqueue_indirect_dma source(%arg9 : memref<256x64xf32, #tpu.memory_space<vmem>>) target(%dma_start3A_229 : memref<10240x64xf32, #tpu.memory_space<vmem_shared>>) offsets(%dma_start3A_226 : memref<256xi32, #tpu.memory_space<vmem>>) semaphore(%arg18 : memref<!tpu.dma_semaphore, #tpu.memory_space<semaphore_mem>>) {add = true}
      %sub3A_230 = arith.constant 2 : i32
      %sub3A_231 = arith.subi %add3A_217, %sub3A_230 : i32
      %dma_wait3A_232 = arith.constant 0 : i32
      %dma_wait3A_233 = tpu.memref_slice %arg8[%sub3A_231, %dma_wait3A_232] : memref<40x256xi32, #tpu.memory_space<vmem>> -> memref<1x256xi32, #tpu.memory_space<vmem>>
      %dma_wait3A_234 = tpu.memref_squeeze %dma_wait3A_233 : memref<1x256xi32, #tpu.memory_space<vmem>> -> memref<256xi32, #tpu.memory_space<vmem>>
      %dma_wait3A_235 = arith.constant 0 : i32
      %dma_wait3A_236 = arith.constant 0 : i32
      %dma_wait3A_237 = tpu.memref_slice %arg13[%dma_wait3A_235, %dma_wait3A_236] : memref<10240x64xf32, #tpu.memory_space<vmem_shared>> -> memref<10240x64xf32, #tpu.memory_space<vmem_shared>>
      tpu.wait_indirect_dma semaphore(%arg20 : memref<!tpu.dma_semaphore, #tpu.memory_space<semaphore_mem>>) src(%arg11 : memref<256x64xf32, #tpu.memory_space<vmem>>) dst(%dma_wait3A_237 : memref<10240x64xf32, #tpu.memory_space<vmem_shared>>)
      %add3A_238 = arith.constant 2 : i32
      %add3A_239 = arith.addi %add3A_217, %add3A_238 : i32
      %dma_start3A_240 = arith.constant 0 : i32
      %dma_start3A_241 = tpu.memref_slice %arg7[%add3A_239, %dma_start3A_240] : memref<40x256xi32, #tpu.memory_space<vmem>> -> memref<1x256xi32, #tpu.memory_space<vmem>>
      %dma_start3A_242 = tpu.memref_squeeze %dma_start3A_241 : memref<1x256xi32, #tpu.memory_space<vmem>> -> memref<256xi32, #tpu.memory_space<vmem>>
      %dma_start3A_243 = arith.constant 0 : i32
      %dma_start3A_244 = arith.constant 0 : i32
      %dma_start3A_245 = tpu.memref_slice %arg2[%dma_start3A_243, %dma_start3A_244] : memref<10240x64xf32, #tpu.memory_space<hbm>> -> memref<10240x64xf32, #tpu.memory_space<hbm>>
      tpu.enqueue_indirect_dma source(%dma_start3A_245 : memref<10240x64xf32, #tpu.memory_space<hbm>>) target(%arg11 : memref<256x64xf32, #tpu.memory_space<vmem>>) offsets(%dma_start3A_242 : memref<256xi32, #tpu.memory_space<vmem>>) semaphore(%arg16 : memref<!tpu.dma_semaphore, #tpu.memory_space<semaphore_mem>>)
      %mul3A_246 = arith.constant 4 : i32
      %mul3A_247 = arith.muli %mul3A_246, %scan3A_144 : i32
      %add3A_248 = arith.constant 2 : i32
      %add3A_249 = arith.addi %mul3A_247, %add3A_248 : i32
      %add3A_250 = arith.constant 3 : i32
      %add3A_251 = arith.addi %add3A_249, %add3A_250 : i32
      %dma_wait3A_252 = arith.constant 0 : i32
      %dma_wait3A_253 = tpu.memref_slice %arg7[%add3A_251, %dma_wait3A_252] : memref<40x256xi32, #tpu.memory_space<vmem>> -> memref<1x256xi32, #tpu.memory_space<vmem>>
      %dma_wait3A_254 = tpu.memref_squeeze %dma_wait3A_253 : memref<1x256xi32, #tpu.memory_space<vmem>> -> memref<256xi32, #tpu.memory_space<vmem>>
      %dma_wait3A_255 = arith.constant 0 : i32
      %dma_wait3A_256 = arith.constant 0 : i32
      %dma_wait3A_257 = tpu.memref_slice %arg2[%dma_wait3A_255, %dma_wait3A_256] : memref<10240x64xf32, #tpu.memory_space<hbm>> -> memref<10240x64xf32, #tpu.memory_space<hbm>>
      tpu.wait_indirect_dma semaphore(%arg15 : memref<!tpu.dma_semaphore, #tpu.memory_space<semaphore_mem>>) src(%dma_wait3A_257 : memref<10240x64xf32, #tpu.memory_space<hbm>>) dst(%arg10 : memref<256x64xf32, #tpu.memory_space<vmem>>)
      %dma_start3A_258 = arith.constant 0 : i32
      %dma_start3A_259 = tpu.memref_slice %arg8[%add3A_251, %dma_start3A_258] : memref<40x256xi32, #tpu.memory_space<vmem>> -> memref<1x256xi32, #tpu.memory_space<vmem>>
      %dma_start3A_260 = tpu.memref_squeeze %dma_start3A_259 : memref<1x256xi32, #tpu.memory_space<vmem>> -> memref<256xi32, #tpu.memory_space<vmem>>
      %dma_start3A_261 = arith.constant 0 : i32
      %dma_start3A_262 = arith.constant 0 : i32
      %dma_start3A_263 = tpu.memref_slice %arg13[%dma_start3A_261, %dma_start3A_262] : memref<10240x64xf32, #tpu.memory_space<vmem_shared>> -> memref<10240x64xf32, #tpu.memory_space<vmem_shared>>
      tpu.enqueue_indirect_dma source(%arg10 : memref<256x64xf32, #tpu.memory_space<vmem>>) target(%dma_start3A_263 : memref<10240x64xf32, #tpu.memory_space<vmem_shared>>) offsets(%dma_start3A_260 : memref<256xi32, #tpu.memory_space<vmem>>) semaphore(%arg19 : memref<!tpu.dma_semaphore, #tpu.memory_space<semaphore_mem>>) {add = true}
      %sub3A_264 = arith.constant 2 : i32
      %sub3A_265 = arith.subi %add3A_251, %sub3A_264 : i32
      %dma_wait3A_266 = arith.constant 0 : i32
      %dma_wait3A_267 = tpu.memref_slice %arg8[%sub3A_265, %dma_wait3A_266] : memref<40x256xi32, #tpu.memory_space<vmem>> -> memref<1x256xi32, #tpu.memory_space<vmem>>
      %dma_wait3A_268 = tpu.memref_squeeze %dma_wait3A_267 : memref<1x256xi32, #tpu.memory_space<vmem>> -> memref<256xi32, #tpu.memory_space<vmem>>
      %dma_wait3A_269 = arith.constant 0 : i32
      %dma_wait3A_270 = arith.constant 0 : i32
      %dma_wait3A_271 = tpu.memref_slice %arg13[%dma_wait3A_269, %dma_wait3A_270] : memref<10240x64xf32, #tpu.memory_space<vmem_shared>> -> memref<10240x64xf32, #tpu.memory_space<vmem_shared>>
      tpu.wait_indirect_dma semaphore(%arg21 : memref<!tpu.dma_semaphore, #tpu.memory_space<semaphore_mem>>) src(%arg12 : memref<256x64xf32, #tpu.memory_space<vmem>>) dst(%dma_wait3A_271 : memref<10240x64xf32, #tpu.memory_space<vmem_shared>>)
      %add3A_272 = arith.constant 2 : i32
      %add3A_273 = arith.addi %add3A_251, %add3A_272 : i32
      %dma_start3A_274 = arith.constant 0 : i32
      %dma_start3A_275 = tpu.memref_slice %arg7[%add3A_273, %dma_start3A_274] : memref<40x256xi32, #tpu.memory_space<vmem>> -> memref<1x256xi32, #tpu.memory_space<vmem>>
      %dma_start3A_276 = tpu.memref_squeeze %dma_start3A_275 : memref<1x256xi32, #tpu.memory_space<vmem>> -> memref<256xi32, #tpu.memory_space<vmem>>
      %dma_start3A_277 = arith.constant 0 : i32
      %dma_start3A_278 = arith.constant 0 : i32
      %dma_start3A_279 = tpu.memref_slice %arg2[%dma_start3A_277, %dma_start3A_278] : memref<10240x64xf32, #tpu.memory_space<hbm>> -> memref<10240x64xf32, #tpu.memory_space<hbm>>
      tpu.enqueue_indirect_dma source(%dma_start3A_279 : memref<10240x64xf32, #tpu.memory_space<hbm>>) target(%arg12 : memref<256x64xf32, #tpu.memory_space<vmem>>) offsets(%dma_start3A_276 : memref<256xi32, #tpu.memory_space<vmem>>) semaphore(%arg17 : memref<!tpu.dma_semaphore, #tpu.memory_space<semaphore_mem>>)
    }
    %scan3A_82 = arith.constant 9 : i32
    %dma_wait3A_83 = arith.constant 38 : i32
    %dma_wait3A_84 = arith.constant 0 : i32
    %dma_wait3A_85 = tpu.memref_slice %arg7[%dma_wait3A_83, %dma_wait3A_84] : memref<40x256xi32, #tpu.memory_space<vmem>> -> memref<1x256xi32, #tpu.memory_space<vmem>>
    %dma_wait3A_86 = tpu.memref_squeeze %dma_wait3A_85 : memref<1x256xi32, #tpu.memory_space<vmem>> -> memref<256xi32, #tpu.memory_space<vmem>>
    %dma_wait3A_87 = arith.constant 0 : i32
    %dma_wait3A_88 = arith.constant 0 : i32
    %dma_wait3A_89 = tpu.memref_slice %arg2[%dma_wait3A_87, %dma_wait3A_88] : memref<10240x64xf32, #tpu.memory_space<hbm>> -> memref<10240x64xf32, #tpu.memory_space<hbm>>
    tpu.wait_indirect_dma semaphore(%arg16 : memref<!tpu.dma_semaphore, #tpu.memory_space<semaphore_mem>>) src(%dma_wait3A_89 : memref<10240x64xf32, #tpu.memory_space<hbm>>) dst(%arg11 : memref<256x64xf32, #tpu.memory_space<vmem>>)
    %dma_start3A_90 = arith.constant 38 : i32
    %dma_start3A_91 = arith.constant 0 : i32
    %dma_start3A_92 = tpu.memref_slice %arg8[%dma_start3A_90, %dma_start3A_91] : memref<40x256xi32, #tpu.memory_space<vmem>> -> memref<1x256xi32, #tpu.memory_space<vmem>>
    %dma_start3A_93 = tpu.memref_squeeze %dma_start3A_92 : memref<1x256xi32, #tpu.memory_space<vmem>> -> memref<256xi32, #tpu.memory_space<vmem>>
    %dma_start3A_94 = arith.constant 0 : i32
    %dma_start3A_95 = arith.constant 0 : i32
    %dma_start3A_96 = tpu.memref_slice %arg13[%dma_start3A_94, %dma_start3A_95] : memref<10240x64xf32, #tpu.memory_space<vmem_shared>> -> memref<10240x64xf32, #tpu.memory_space<vmem_shared>>
    tpu.enqueue_indirect_dma source(%arg11 : memref<256x64xf32, #tpu.memory_space<vmem>>) target(%dma_start3A_96 : memref<10240x64xf32, #tpu.memory_space<vmem_shared>>) offsets(%dma_start3A_93 : memref<256xi32, #tpu.memory_space<vmem>>) semaphore(%arg20 : memref<!tpu.dma_semaphore, #tpu.memory_space<semaphore_mem>>) {add = true}
    %dma_wait3A_97 = arith.constant 39 : i32
    %dma_wait3A_98 = arith.constant 0 : i32
    %dma_wait3A_99 = tpu.memref_slice %arg7[%dma_wait3A_97, %dma_wait3A_98] : memref<40x256xi32, #tpu.memory_space<vmem>> -> memref<1x256xi32, #tpu.memory_space<vmem>>
    %dma_wait3A_100 = tpu.memref_squeeze %dma_wait3A_99 : memref<1x256xi32, #tpu.memory_space<vmem>> -> memref<256xi32, #tpu.memory_space<vmem>>
    %dma_wait3A_101 = arith.constant 0 : i32
    %dma_wait3A_102 = arith.constant 0 : i32
    %dma_wait3A_103 = tpu.memref_slice %arg2[%dma_wait3A_101, %dma_wait3A_102] : memref<10240x64xf32, #tpu.memory_space<hbm>> -> memref<10240x64xf32, #tpu.memory_space<hbm>>
    tpu.wait_indirect_dma semaphore(%arg17 : memref<!tpu.dma_semaphore, #tpu.memory_space<semaphore_mem>>) src(%dma_wait3A_103 : memref<10240x64xf32, #tpu.memory_space<hbm>>) dst(%arg12 : memref<256x64xf32, #tpu.memory_space<vmem>>)
    %dma_start3A_104 = arith.constant 39 : i32
    %dma_start3A_105 = arith.constant 0 : i32
    %dma_start3A_106 = tpu.memref_slice %arg8[%dma_start3A_104, %dma_start3A_105] : memref<40x256xi32, #tpu.memory_space<vmem>> -> memref<1x256xi32, #tpu.memory_space<vmem>>
    %dma_start3A_107 = tpu.memref_squeeze %dma_start3A_106 : memref<1x256xi32, #tpu.memory_space<vmem>> -> memref<256xi32, #tpu.memory_space<vmem>>
    %dma_start3A_108 = arith.constant 0 : i32
    %dma_start3A_109 = arith.constant 0 : i32
    %dma_start3A_110 = tpu.memref_slice %arg13[%dma_start3A_108, %dma_start3A_109] : memref<10240x64xf32, #tpu.memory_space<vmem_shared>> -> memref<10240x64xf32, #tpu.memory_space<vmem_shared>>
    tpu.enqueue_indirect_dma source(%arg12 : memref<256x64xf32, #tpu.memory_space<vmem>>) target(%dma_start3A_110 : memref<10240x64xf32, #tpu.memory_space<vmem_shared>>) offsets(%dma_start3A_107 : memref<256xi32, #tpu.memory_space<vmem>>) semaphore(%arg21 : memref<!tpu.dma_semaphore, #tpu.memory_space<semaphore_mem>>) {add = true}
    %dma_wait3A_111 = arith.constant 36 : i32
    %dma_wait3A_112 = arith.constant 0 : i32
    %dma_wait3A_113 = tpu.memref_slice %arg8[%dma_wait3A_111, %dma_wait3A_112] : memref<40x256xi32, #tpu.memory_space<vmem>> -> memref<1x256xi32, #tpu.memory_space<vmem>>
    %dma_wait3A_114 = tpu.memref_squeeze %dma_wait3A_113 : memref<1x256xi32, #tpu.memory_space<vmem>> -> memref<256xi32, #tpu.memory_space<vmem>>
    %dma_wait3A_115 = arith.constant 0 : i32
    %dma_wait3A_116 = arith.constant 0 : i32
    %dma_wait3A_117 = tpu.memref_slice %arg13[%dma_wait3A_115, %dma_wait3A_116] : memref<10240x64xf32, #tpu.memory_space<vmem_shared>> -> memref<10240x64xf32, #tpu.memory_space<vmem_shared>>
    tpu.wait_indirect_dma semaphore(%arg18 : memref<!tpu.dma_semaphore, #tpu.memory_space<semaphore_mem>>) src(%arg9 : memref<256x64xf32, #tpu.memory_space<vmem>>) dst(%dma_wait3A_117 : memref<10240x64xf32, #tpu.memory_space<vmem_shared>>)
    %dma_wait3A_118 = arith.constant 37 : i32
    %dma_wait3A_119 = arith.constant 0 : i32
    %dma_wait3A_120 = tpu.memref_slice %arg8[%dma_wait3A_118, %dma_wait3A_119] : memref<40x256xi32, #tpu.memory_space<vmem>> -> memref<1x256xi32, #tpu.memory_space<vmem>>
    %dma_wait3A_121 = tpu.memref_squeeze %dma_wait3A_120 : memref<1x256xi32, #tpu.memory_space<vmem>> -> memref<256xi32, #tpu.memory_space<vmem>>
    %dma_wait3A_122 = arith.constant 0 : i32
    %dma_wait3A_123 = arith.constant 0 : i32
    %dma_wait3A_124 = tpu.memref_slice %arg13[%dma_wait3A_122, %dma_wait3A_123] : memref<10240x64xf32, #tpu.memory_space<vmem_shared>> -> memref<10240x64xf32, #tpu.memory_space<vmem_shared>>
    tpu.wait_indirect_dma semaphore(%arg19 : memref<!tpu.dma_semaphore, #tpu.memory_space<semaphore_mem>>) src(%arg10 : memref<256x64xf32, #tpu.memory_space<vmem>>) dst(%dma_wait3A_124 : memref<10240x64xf32, #tpu.memory_space<vmem_shared>>)
    %dma_wait3A_125 = arith.constant 38 : i32
    %dma_wait3A_126 = arith.constant 0 : i32
    %dma_wait3A_127 = tpu.memref_slice %arg8[%dma_wait3A_125, %dma_wait3A_126] : memref<40x256xi32, #tpu.memory_space<vmem>> -> memref<1x256xi32, #tpu.memory_space<vmem>>
    %dma_wait3A_128 = tpu.memref_squeeze %dma_wait3A_127 : memref<1x256xi32, #tpu.memory_space<vmem>> -> memref<256xi32, #tpu.memory_space<vmem>>
    %dma_wait3A_129 = arith.constant 0 : i32
    %dma_wait3A_130 = arith.constant 0 : i32
    %dma_wait3A_131 = tpu.memref_slice %arg13[%dma_wait3A_129, %dma_wait3A_130] : memref<10240x64xf32, #tpu.memory_space<vmem_shared>> -> memref<10240x64xf32, #tpu.memory_space<vmem_shared>>
    tpu.wait_indirect_dma semaphore(%arg20 : memref<!tpu.dma_semaphore, #tpu.memory_space<semaphore_mem>>) src(%arg11 : memref<256x64xf32, #tpu.memory_space<vmem>>) dst(%dma_wait3A_131 : memref<10240x64xf32, #tpu.memory_space<vmem_shared>>)
    %dma_wait3A_132 = arith.constant 39 : i32
    %dma_wait3A_133 = arith.constant 0 : i32
    %dma_wait3A_134 = tpu.memref_slice %arg8[%dma_wait3A_132, %dma_wait3A_133] : memref<40x256xi32, #tpu.memory_space<vmem>> -> memref<1x256xi32, #tpu.memory_space<vmem>>
    %dma_wait3A_135 = tpu.memref_squeeze %dma_wait3A_134 : memref<1x256xi32, #tpu.memory_space<vmem>> -> memref<256xi32, #tpu.memory_space<vmem>>
    %dma_wait3A_136 = arith.constant 0 : i32
    %dma_wait3A_137 = arith.constant 0 : i32
    %dma_wait3A_138 = tpu.memref_slice %arg13[%dma_wait3A_136, %dma_wait3A_137] : memref<10240x64xf32, #tpu.memory_space<vmem_shared>> -> memref<10240x64xf32, #tpu.memory_space<vmem_shared>>
    tpu.wait_indirect_dma semaphore(%arg21 : memref<!tpu.dma_semaphore, #tpu.memory_space<semaphore_mem>>) src(%arg12 : memref<256x64xf32, #tpu.memory_space<vmem>>) dst(%dma_wait3A_138 : memref<10240x64xf32, #tpu.memory_space<vmem_shared>>)
    %barrier3A_139 = arith.constant 0 : index
    tpu.barrier barrier_id(%barrier3A_139)
    %mul3A_140 = arith.constant 640 : i32
    %mul3A_141 = arith.muli %arg1, %mul3A_140 : i32
    %mul3A_142 = arith.constant 640 : i32
    %mul3A_143 = arith.muli %arg1, %mul3A_142 : i32
    "tpu.region"() ({
      %run_scoped3A = tpu.sem_alloc : memref<!tpu.dma_semaphore, #tpu.memory_space<semaphore_mem>>
      %dma_start3A_144 = arith.constant 0 : i32
      %dma_start3A_145 = tpu.memref_slice %arg6[%arg0, %mul3A_143, %dma_start3A_144] : memref<2x10240x64xf32, #tpu.memory_space<hbm>> -> memref<1x640x64xf32, #tpu.memory_space<hbm>>
      %dma_start3A_146 = tpu.memref_squeeze %dma_start3A_145 : memref<1x640x64xf32, #tpu.memory_space<hbm>> -> memref<640x64xf32, #tpu.memory_space<hbm>>
      %dma_start3A_147 = arith.constant 0 : i32
      %dma_start3A_148 = tpu.memref_slice %arg13[%mul3A_141, %dma_start3A_147] : memref<10240x64xf32, #tpu.memory_space<vmem_shared>> -> memref<640x64xf32, #tpu.memory_space<vmem_shared>>
      tpu.enqueue_dma source(%dma_start3A_148 : memref<640x64xf32, #tpu.memory_space<vmem_shared>>) target(%dma_start3A_146 : memref<640x64xf32, #tpu.memory_space<hbm>>) target_semaphore(%run_scoped3A : memref<!tpu.dma_semaphore, #tpu.memory_space<semaphore_mem>>)
      %dma_wait3A_149 = arith.constant 0 : i32
      %dma_wait3A_150 = tpu.memref_slice %arg6[%arg0, %mul3A_143, %dma_wait3A_149] : memref<2x10240x64xf32, #tpu.memory_space<hbm>> -> memref<1x640x64xf32, #tpu.memory_space<hbm>>
      %dma_wait3A_151 = tpu.memref_squeeze %dma_wait3A_150 : memref<1x640x64xf32, #tpu.memory_space<hbm>> -> memref<640x64xf32, #tpu.memory_space<hbm>>
      %dma_wait3A_152 = arith.constant 0 : i32
      %dma_wait3A_153 = tpu.memref_slice %arg13[%mul3A_141, %dma_wait3A_152] : memref<10240x64xf32, #tpu.memory_space<vmem_shared>> -> memref<640x64xf32, #tpu.memory_space<vmem_shared>>
      tpu.wait_dma2 semaphore(%run_scoped3A : memref<!tpu.dma_semaphore, #tpu.memory_space<semaphore_mem>>) src(%dma_wait3A_153 : memref<640x64xf32, #tpu.memory_space<vmem_shared>>) dst(%dma_wait3A_151 : memref<640x64xf32, #tpu.memory_space<hbm>>)
      tpu.yield
    }) : () -> ()
    return
  }
}

#map = affine_map<(d0, d1) -> (0, 0)>
#map1 = affine_map<(d0, d1) -> (0, 0, 0)>
module attributes {stable_mosaic.version = 14 : i64} {
  func.func @body(%arg0: i32, %arg1: i32, %arg2: memref<10240x64xf32, #tpu.memory_space<hbm>>, %arg3: memref<1280x256xi32, #tpu.memory_space<hbm>>, %arg4: memref<1280x256xi32, #tpu.memory_space<hbm>>, %arg5: memref<128x64xf32, #tpu.memory_space<hbm>>, %arg6: memref<2x10240x64xf32, #tpu.memory_space<hbm>>, %arg7: memref<40x256xi32, #tpu.memory_space<vmem>>, %arg8: memref<40x256xi32, #tpu.memory_space<vmem>>, %arg9: memref<256x64xf32, #tpu.memory_space<vmem>>, %arg10: memref<256x64xf32, #tpu.memory_space<vmem>>, %arg11: memref<256x64xf32, #tpu.memory_space<vmem>>, %arg12: memref<256x64xf32, #tpu.memory_space<vmem>>, %arg13: memref<10240x64xf32, #tpu.memory_space<vmem_shared>>, %arg14: memref<!tpu.dma_semaphore, #tpu.memory_space<semaphore_mem>>, %arg15: memref<!tpu.dma_semaphore, #tpu.memory_space<semaphore_mem>>, %arg16: memref<!tpu.dma_semaphore, #tpu.memory_space<semaphore_mem>>, %arg17: memref<!tpu.dma_semaphore, #tpu.memory_space<semaphore_mem>>, %arg18: memref<!tpu.dma_semaphore, #tpu.memory_space<semaphore_mem>>, %arg19: memref<!tpu.dma_semaphore, #tpu.memory_space<semaphore_mem>>, %arg20: memref<!tpu.dma_semaphore, #tpu.memory_space<semaphore_mem>>, %arg21: memref<!tpu.dma_semaphore, #tpu.memory_space<semaphore_mem>>) attributes {dimension_semantics = [#tpu.dimension_semantics<core_parallel>, #tpu.dimension_semantics<subcore_parallel>], iteration_bounds = array<i64: 2, 16>, scalar_prefetch = 0 : i64, scratch_operands = 15 : i64, tpu.core_type = #tpu.core_type<sc_vector_subcore>, window_params = [{transform_indices = #map}, {transform_indices = #map}, {transform_indices = #map}, {transform_indices = #map}, {transform_indices = #map1}]} {
    %mul3A = arith.constant 16 : i32
    %mul3A_0 = arith.muli %arg0, %mul3A : i32
    %add3A = arith.addi %mul3A_0, %arg1 : i32
    %mul3A_1 = arith.constant 40 : i32
    %mul3A_2 = arith.muli %add3A, %mul3A_1 : i32
    "tpu.region"() ({
      %run_scoped3A = tpu.sem_alloc : memref<!tpu.dma_semaphore, #tpu.memory_space<semaphore_mem>>
      %dma_start3A_144 = arith.constant 0 : i32
      %dma_start3A_145 = tpu.memref_slice %arg3[%mul3A_2, %dma_start3A_144] : memref<1280x256xi32, #tpu.memory_space<hbm>> -> memref<40x256xi32, #tpu.memory_space<hbm>>
      %dma_start3A_146 = arith.constant 0 : i32
      %dma_start3A_147 = tpu.memref_slice %arg3[%mul3A_2, %dma_start3A_146] : memref<1280x256xi32, #tpu.memory_space<hbm>> -> memref<40x256xi32, #tpu.memory_space<hbm>>
      tpu.enqueue_dma source(%dma_start3A_147 : memref<40x256xi32, #tpu.memory_space<hbm>>) target(%arg7 : memref<40x256xi32, #tpu.memory_space<vmem>>) target_semaphore(%run_scoped3A : memref<!tpu.dma_semaphore, #tpu.memory_space<semaphore_mem>>)
      %dma_wait3A_148 = arith.constant 0 : i32
      %dma_wait3A_149 = tpu.memref_slice %arg3[%mul3A_2, %dma_wait3A_148] : memref<1280x256xi32, #tpu.memory_space<hbm>> -> memref<40x256xi32, #tpu.memory_space<hbm>>
      %dma_wait3A_150 = arith.constant 0 : i32
      %dma_wait3A_151 = tpu.memref_slice %arg3[%mul3A_2, %dma_wait3A_150] : memref<1280x256xi32, #tpu.memory_space<hbm>> -> memref<40x256xi32, #tpu.memory_space<hbm>>
      tpu.wait_dma2 semaphore(%run_scoped3A : memref<!tpu.dma_semaphore, #tpu.memory_space<semaphore_mem>>) src(%dma_wait3A_151 : memref<40x256xi32, #tpu.memory_space<hbm>>) dst(%arg7 : memref<40x256xi32, #tpu.memory_space<vmem>>)
      tpu.yield
    }) : () -> ()
    %mul3A_3 = arith.constant 40 : i32
    %mul3A_4 = arith.muli %add3A, %mul3A_3 : i32
    "tpu.region"() ({
      %run_scoped3A = tpu.sem_alloc : memref<!tpu.dma_semaphore, #tpu.memory_space<semaphore_mem>>
      %dma_start3A_144 = arith.constant 0 : i32
      %dma_start3A_145 = tpu.memref_slice %arg4[%mul3A_4, %dma_start3A_144] : memref<1280x256xi32, #tpu.memory_space<hbm>> -> memref<40x256xi32, #tpu.memory_space<hbm>>
      %dma_start3A_146 = arith.constant 0 : i32
      %dma_start3A_147 = tpu.memref_slice %arg4[%mul3A_4, %dma_start3A_146] : memref<1280x256xi32, #tpu.memory_space<hbm>> -> memref<40x256xi32, #tpu.memory_space<hbm>>
      tpu.enqueue_dma source(%dma_start3A_147 : memref<40x256xi32, #tpu.memory_space<hbm>>) target(%arg8 : memref<40x256xi32, #tpu.memory_space<vmem>>) target_semaphore(%run_scoped3A : memref<!tpu.dma_semaphore, #tpu.memory_space<semaphore_mem>>)
      %dma_wait3A_148 = arith.constant 0 : i32
      %dma_wait3A_149 = tpu.memref_slice %arg4[%mul3A_4, %dma_wait3A_148] : memref<1280x256xi32, #tpu.memory_space<hbm>> -> memref<40x256xi32, #tpu.memory_space<hbm>>
      %dma_wait3A_150 = arith.constant 0 : i32
      %dma_wait3A_151 = tpu.memref_slice %arg4[%mul3A_4, %dma_wait3A_150] : memref<1280x256xi32, #tpu.memory_space<hbm>> -> memref<40x256xi32, #tpu.memory_space<hbm>>
      tpu.wait_dma2 semaphore(%run_scoped3A : memref<!tpu.dma_semaphore, #tpu.memory_space<semaphore_mem>>) src(%dma_wait3A_151 : memref<40x256xi32, #tpu.memory_space<hbm>>) dst(%arg8 : memref<40x256xi32, #tpu.memory_space<vmem>>)
      tpu.yield
    }) : () -> ()
    "tpu.region"() ({
      %run_scoped3A = tpu.sem_alloc : memref<!tpu.dma_semaphore, #tpu.memory_space<semaphore_mem>>
      %dma_start3A_144 = arith.constant 0 : i32
      %dma_start3A_145 = arith.constant 0 : i32
      %dma_start3A_146 = tpu.memref_slice %arg9[%dma_start3A_144, %dma_start3A_145] : memref<256x64xf32, #tpu.memory_space<vmem>> -> memref<128x64xf32, #tpu.memory_space<vmem>>
      %dma_start3A_147 = arith.constant 0 : i32
      %dma_start3A_148 = arith.constant 0 : i32
      %dma_start3A_149 = tpu.memref_slice %arg9[%dma_start3A_147, %dma_start3A_148] : memref<256x64xf32, #tpu.memory_space<vmem>> -> memref<128x64xf32, #tpu.memory_space<vmem>>
      tpu.enqueue_dma source(%arg5 : memref<128x64xf32, #tpu.memory_space<hbm>>) target(%dma_start3A_149 : memref<128x64xf32, #tpu.memory_space<vmem>>) target_semaphore(%run_scoped3A : memref<!tpu.dma_semaphore, #tpu.memory_space<semaphore_mem>>)
      %dma_wait3A_150 = arith.constant 0 : i32
      %dma_wait3A_151 = arith.constant 0 : i32
      %dma_wait3A_152 = tpu.memref_slice %arg9[%dma_wait3A_150, %dma_wait3A_151] : memref<256x64xf32, #tpu.memory_space<vmem>> -> memref<128x64xf32, #tpu.memory_space<vmem>>
      %dma_wait3A_153 = arith.constant 0 : i32
      %dma_wait3A_154 = arith.constant 0 : i32
      %dma_wait3A_155 = tpu.memref_slice %arg9[%dma_wait3A_153, %dma_wait3A_154] : memref<256x64xf32, #tpu.memory_space<vmem>> -> memref<128x64xf32, #tpu.memory_space<vmem>>
      tpu.wait_dma2 semaphore(%run_scoped3A : memref<!tpu.dma_semaphore, #tpu.memory_space<semaphore_mem>>) src(%arg5 : memref<128x64xf32, #tpu.memory_space<hbm>>) dst(%dma_wait3A_155 : memref<128x64xf32, #tpu.memory_space<vmem>>)
      tpu.yield
    }) : () -> ()
    %mul3A_5 = arith.constant 640 : i32
    %mul3A_6 = arith.muli %arg1, %mul3A_5 : i32
    %add3A_7 = arith.constant 0 : i32
    %add3A_8 = arith.addi %mul3A_6, %add3A_7 : i32
    "tpu.region"() ({
      %run_scoped3A = tpu.sem_alloc : memref<!tpu.dma_semaphore, #tpu.memory_space<semaphore_mem>>
      %dma_start3A_144 = arith.constant 0 : i32
      %dma_start3A_145 = arith.constant 0 : i32
      %dma_start3A_146 = tpu.memref_slice %arg9[%dma_start3A_144, %dma_start3A_145] : memref<256x64xf32, #tpu.memory_space<vmem>> -> memref<128x64xf32, #tpu.memory_space<vmem>>
      %dma_start3A_147 = arith.constant 0 : i32
      %dma_start3A_148 = tpu.memref_slice %arg13[%add3A_8, %dma_start3A_147] : memref<10240x64xf32, #tpu.memory_space<vmem_shared>> -> memref<128x64xf32, #tpu.memory_space<vmem_shared>>
      %dma_start3A_149 = arith.constant 0 : i32
      %dma_start3A_150 = tpu.memref_slice %arg13[%add3A_8, %dma_start3A_149] : memref<10240x64xf32, #tpu.memory_space<vmem_shared>> -> memref<128x64xf32, #tpu.memory_space<vmem_shared>>
      %dma_start3A_151 = arith.constant 0 : i32
      %dma_start3A_152 = arith.constant 0 : i32
      %dma_start3A_153 = tpu.memref_slice %arg9[%dma_start3A_151, %dma_start3A_152] : memref<256x64xf32, #tpu.memory_space<vmem>> -> memref<128x64xf32, #tpu.memory_space<vmem>>
      tpu.enqueue_dma source(%dma_start3A_153 : memref<128x64xf32, #tpu.memory_space<vmem>>) target(%dma_start3A_150 : memref<128x64xf32, #tpu.memory_space<vmem_shared>>) target_semaphore(%run_scoped3A : memref<!tpu.dma_semaphore, #tpu.memory_space<semaphore_mem>>)
      %dma_wait3A_154 = arith.constant 0 : i32
      %dma_wait3A_155 = arith.constant 0 : i32
      %dma_wait3A_156 = tpu.memref_slice %arg9[%dma_wait3A_154, %dma_wait3A_155] : memref<256x64xf32, #tpu.memory_space<vmem>> -> memref<128x64xf32, #tpu.memory_space<vmem>>
      %dma_wait3A_157 = arith.constant 0 : i32
      %dma_wait3A_158 = tpu.memref_slice %arg13[%add3A_8, %dma_wait3A_157] : memref<10240x64xf32, #tpu.memory_space<vmem_shared>> -> memref<128x64xf32, #tpu.memory_space<vmem_shared>>
      %dma_wait3A_159 = arith.constant 0 : i32
      %dma_wait3A_160 = tpu.memref_slice %arg13[%add3A_8, %dma_wait3A_159] : memref<10240x64xf32, #tpu.memory_space<vmem_shared>> -> memref<128x64xf32, #tpu.memory_space<vmem_shared>>
      %dma_wait3A_161 = arith.constant 0 : i32
      %dma_wait3A_162 = arith.constant 0 : i32
      %dma_wait3A_163 = tpu.memref_slice %arg9[%dma_wait3A_161, %dma_wait3A_162] : memref<256x64xf32, #tpu.memory_space<vmem>> -> memref<128x64xf32, #tpu.memory_space<vmem>>
      tpu.wait_dma2 semaphore(%run_scoped3A : memref<!tpu.dma_semaphore, #tpu.memory_space<semaphore_mem>>) src(%dma_wait3A_163 : memref<128x64xf32, #tpu.memory_space<vmem>>) dst(%dma_wait3A_160 : memref<128x64xf32, #tpu.memory_space<vmem_shared>>)
      tpu.yield
    }) : () -> ()
    %mul3A_9 = arith.constant 640 : i32
    %mul3A_10 = arith.muli %arg1, %mul3A_9 : i32
    %add3A_11 = arith.constant 128 : i32
    %add3A_12 = arith.addi %mul3A_10, %add3A_11 : i32
    "tpu.region"() ({
      %run_scoped3A = tpu.sem_alloc : memref<!tpu.dma_semaphore, #tpu.memory_space<semaphore_mem>>
      %dma_start3A_144 = arith.constant 0 : i32
      %dma_start3A_145 = arith.constant 0 : i32
      %dma_start3A_146 = tpu.memref_slice %arg9[%dma_start3A_144, %dma_start3A_145] : memref<256x64xf32, #tpu.memory_space<vmem>> -> memref<128x64xf32, #tpu.memory_space<vmem>>
      %dma_start3A_147 = arith.constant 0 : i32
      %dma_start3A_148 = tpu.memref_slice %arg13[%add3A_12, %dma_start3A_147] : memref<10240x64xf32, #tpu.memory_space<vmem_shared>> -> memref<128x64xf32, #tpu.memory_space<vmem_shared>>
      %dma_start3A_149 = arith.constant 0 : i32
      %dma_start3A_150 = tpu.memref_slice %arg13[%add3A_12, %dma_start3A_149] : memref<10240x64xf32, #tpu.memory_space<vmem_shared>> -> memref<128x64xf32, #tpu.memory_space<vmem_shared>>
      %dma_start3A_151 = arith.constant 0 : i32
      %dma_start3A_152 = arith.constant 0 : i32
      %dma_start3A_153 = tpu.memref_slice %arg9[%dma_start3A_151, %dma_start3A_152] : memref<256x64xf32, #tpu.memory_space<vmem>> -> memref<128x64xf32, #tpu.memory_space<vmem>>
      tpu.enqueue_dma source(%dma_start3A_153 : memref<128x64xf32, #tpu.memory_space<vmem>>) target(%dma_start3A_150 : memref<128x64xf32, #tpu.memory_space<vmem_shared>>) target_semaphore(%run_scoped3A : memref<!tpu.dma_semaphore, #tpu.memory_space<semaphore_mem>>)
      %dma_wait3A_154 = arith.constant 0 : i32
      %dma_wait3A_155 = arith.constant 0 : i32
      %dma_wait3A_156 = tpu.memref_slice %arg9[%dma_wait3A_154, %dma_wait3A_155] : memref<256x64xf32, #tpu.memory_space<vmem>> -> memref<128x64xf32, #tpu.memory_space<vmem>>
      %dma_wait3A_157 = arith.constant 0 : i32
      %dma_wait3A_158 = tpu.memref_slice %arg13[%add3A_12, %dma_wait3A_157] : memref<10240x64xf32, #tpu.memory_space<vmem_shared>> -> memref<128x64xf32, #tpu.memory_space<vmem_shared>>
      %dma_wait3A_159 = arith.constant 0 : i32
      %dma_wait3A_160 = tpu.memref_slice %arg13[%add3A_12, %dma_wait3A_159] : memref<10240x64xf32, #tpu.memory_space<vmem_shared>> -> memref<128x64xf32, #tpu.memory_space<vmem_shared>>
      %dma_wait3A_161 = arith.constant 0 : i32
      %dma_wait3A_162 = arith.constant 0 : i32
      %dma_wait3A_163 = tpu.memref_slice %arg9[%dma_wait3A_161, %dma_wait3A_162] : memref<256x64xf32, #tpu.memory_space<vmem>> -> memref<128x64xf32, #tpu.memory_space<vmem>>
      tpu.wait_dma2 semaphore(%run_scoped3A : memref<!tpu.dma_semaphore, #tpu.memory_space<semaphore_mem>>) src(%dma_wait3A_163 : memref<128x64xf32, #tpu.memory_space<vmem>>) dst(%dma_wait3A_160 : memref<128x64xf32, #tpu.memory_space<vmem_shared>>)
      tpu.yield
    }) : () -> ()
    %mul3A_13 = arith.constant 640 : i32
    %mul3A_14 = arith.muli %arg1, %mul3A_13 : i32
    %add3A_15 = arith.constant 256 : i32
    %add3A_16 = arith.addi %mul3A_14, %add3A_15 : i32
    "tpu.region"() ({
      %run_scoped3A = tpu.sem_alloc : memref<!tpu.dma_semaphore, #tpu.memory_space<semaphore_mem>>
      %dma_start3A_144 = arith.constant 0 : i32
      %dma_start3A_145 = arith.constant 0 : i32
      %dma_start3A_146 = tpu.memref_slice %arg9[%dma_start3A_144, %dma_start3A_145] : memref<256x64xf32, #tpu.memory_space<vmem>> -> memref<128x64xf32, #tpu.memory_space<vmem>>
      %dma_start3A_147 = arith.constant 0 : i32
      %dma_start3A_148 = tpu.memref_slice %arg13[%add3A_16, %dma_start3A_147] : memref<10240x64xf32, #tpu.memory_space<vmem_shared>> -> memref<128x64xf32, #tpu.memory_space<vmem_shared>>
      %dma_start3A_149 = arith.constant 0 : i32
      %dma_start3A_150 = tpu.memref_slice %arg13[%add3A_16, %dma_start3A_149] : memref<10240x64xf32, #tpu.memory_space<vmem_shared>> -> memref<128x64xf32, #tpu.memory_space<vmem_shared>>
      %dma_start3A_151 = arith.constant 0 : i32
      %dma_start3A_152 = arith.constant 0 : i32
      %dma_start3A_153 = tpu.memref_slice %arg9[%dma_start3A_151, %dma_start3A_152] : memref<256x64xf32, #tpu.memory_space<vmem>> -> memref<128x64xf32, #tpu.memory_space<vmem>>
      tpu.enqueue_dma source(%dma_start3A_153 : memref<128x64xf32, #tpu.memory_space<vmem>>) target(%dma_start3A_150 : memref<128x64xf32, #tpu.memory_space<vmem_shared>>) target_semaphore(%run_scoped3A : memref<!tpu.dma_semaphore, #tpu.memory_space<semaphore_mem>>)
      %dma_wait3A_154 = arith.constant 0 : i32
      %dma_wait3A_155 = arith.constant 0 : i32
      %dma_wait3A_156 = tpu.memref_slice %arg9[%dma_wait3A_154, %dma_wait3A_155] : memref<256x64xf32, #tpu.memory_space<vmem>> -> memref<128x64xf32, #tpu.memory_space<vmem>>
      %dma_wait3A_157 = arith.constant 0 : i32
      %dma_wait3A_158 = tpu.memref_slice %arg13[%add3A_16, %dma_wait3A_157] : memref<10240x64xf32, #tpu.memory_space<vmem_shared>> -> memref<128x64xf32, #tpu.memory_space<vmem_shared>>
      %dma_wait3A_159 = arith.constant 0 : i32
      %dma_wait3A_160 = tpu.memref_slice %arg13[%add3A_16, %dma_wait3A_159] : memref<10240x64xf32, #tpu.memory_space<vmem_shared>> -> memref<128x64xf32, #tpu.memory_space<vmem_shared>>
      %dma_wait3A_161 = arith.constant 0 : i32
      %dma_wait3A_162 = arith.constant 0 : i32
      %dma_wait3A_163 = tpu.memref_slice %arg9[%dma_wait3A_161, %dma_wait3A_162] : memref<256x64xf32, #tpu.memory_space<vmem>> -> memref<128x64xf32, #tpu.memory_space<vmem>>
      tpu.wait_dma2 semaphore(%run_scoped3A : memref<!tpu.dma_semaphore, #tpu.memory_space<semaphore_mem>>) src(%dma_wait3A_163 : memref<128x64xf32, #tpu.memory_space<vmem>>) dst(%dma_wait3A_160 : memref<128x64xf32, #tpu.memory_space<vmem_shared>>)
      tpu.yield
    }) : () -> ()
    %mul3A_17 = arith.constant 640 : i32
    %mul3A_18 = arith.muli %arg1, %mul3A_17 : i32
    %add3A_19 = arith.constant 384 : i32
    %add3A_20 = arith.addi %mul3A_18, %add3A_19 : i32
    "tpu.region"() ({
      %run_scoped3A = tpu.sem_alloc : memref<!tpu.dma_semaphore, #tpu.memory_space<semaphore_mem>>
      %dma_start3A_144 = arith.constant 0 : i32
      %dma_start3A_145 = arith.constant 0 : i32
      %dma_start3A_146 = tpu.memref_slice %arg9[%dma_start3A_144, %dma_start3A_145] : memref<256x64xf32, #tpu.memory_space<vmem>> -> memref<128x64xf32, #tpu.memory_space<vmem>>
      %dma_start3A_147 = arith.constant 0 : i32
      %dma_start3A_148 = tpu.memref_slice %arg13[%add3A_20, %dma_start3A_147] : memref<10240x64xf32, #tpu.memory_space<vmem_shared>> -> memref<128x64xf32, #tpu.memory_space<vmem_shared>>
      %dma_start3A_149 = arith.constant 0 : i32
      %dma_start3A_150 = tpu.memref_slice %arg13[%add3A_20, %dma_start3A_149] : memref<10240x64xf32, #tpu.memory_space<vmem_shared>> -> memref<128x64xf32, #tpu.memory_space<vmem_shared>>
      %dma_start3A_151 = arith.constant 0 : i32
      %dma_start3A_152 = arith.constant 0 : i32
      %dma_start3A_153 = tpu.memref_slice %arg9[%dma_start3A_151, %dma_start3A_152] : memref<256x64xf32, #tpu.memory_space<vmem>> -> memref<128x64xf32, #tpu.memory_space<vmem>>
      tpu.enqueue_dma source(%dma_start3A_153 : memref<128x64xf32, #tpu.memory_space<vmem>>) target(%dma_start3A_150 : memref<128x64xf32, #tpu.memory_space<vmem_shared>>) target_semaphore(%run_scoped3A : memref<!tpu.dma_semaphore, #tpu.memory_space<semaphore_mem>>)
      %dma_wait3A_154 = arith.constant 0 : i32
      %dma_wait3A_155 = arith.constant 0 : i32
      %dma_wait3A_156 = tpu.memref_slice %arg9[%dma_wait3A_154, %dma_wait3A_155] : memref<256x64xf32, #tpu.memory_space<vmem>> -> memref<128x64xf32, #tpu.memory_space<vmem>>
      %dma_wait3A_157 = arith.constant 0 : i32
      %dma_wait3A_158 = tpu.memref_slice %arg13[%add3A_20, %dma_wait3A_157] : memref<10240x64xf32, #tpu.memory_space<vmem_shared>> -> memref<128x64xf32, #tpu.memory_space<vmem_shared>>
      %dma_wait3A_159 = arith.constant 0 : i32
      %dma_wait3A_160 = tpu.memref_slice %arg13[%add3A_20, %dma_wait3A_159] : memref<10240x64xf32, #tpu.memory_space<vmem_shared>> -> memref<128x64xf32, #tpu.memory_space<vmem_shared>>
      %dma_wait3A_161 = arith.constant 0 : i32
      %dma_wait3A_162 = arith.constant 0 : i32
      %dma_wait3A_163 = tpu.memref_slice %arg9[%dma_wait3A_161, %dma_wait3A_162] : memref<256x64xf32, #tpu.memory_space<vmem>> -> memref<128x64xf32, #tpu.memory_space<vmem>>
      tpu.wait_dma2 semaphore(%run_scoped3A : memref<!tpu.dma_semaphore, #tpu.memory_space<semaphore_mem>>) src(%dma_wait3A_163 : memref<128x64xf32, #tpu.memory_space<vmem>>) dst(%dma_wait3A_160 : memref<128x64xf32, #tpu.memory_space<vmem_shared>>)
      tpu.yield
    }) : () -> ()
    %mul3A_21 = arith.constant 640 : i32
    %mul3A_22 = arith.muli %arg1, %mul3A_21 : i32
    %add3A_23 = arith.constant 512 : i32
    %add3A_24 = arith.addi %mul3A_22, %add3A_23 : i32
    "tpu.region"() ({
      %run_scoped3A = tpu.sem_alloc : memref<!tpu.dma_semaphore, #tpu.memory_space<semaphore_mem>>
      %dma_start3A_144 = arith.constant 0 : i32
      %dma_start3A_145 = arith.constant 0 : i32
      %dma_start3A_146 = tpu.memref_slice %arg9[%dma_start3A_144, %dma_start3A_145] : memref<256x64xf32, #tpu.memory_space<vmem>> -> memref<128x64xf32, #tpu.memory_space<vmem>>
      %dma_start3A_147 = arith.constant 0 : i32
      %dma_start3A_148 = tpu.memref_slice %arg13[%add3A_24, %dma_start3A_147] : memref<10240x64xf32, #tpu.memory_space<vmem_shared>> -> memref<128x64xf32, #tpu.memory_space<vmem_shared>>
      %dma_start3A_149 = arith.constant 0 : i32
      %dma_start3A_150 = tpu.memref_slice %arg13[%add3A_24, %dma_start3A_149] : memref<10240x64xf32, #tpu.memory_space<vmem_shared>> -> memref<128x64xf32, #tpu.memory_space<vmem_shared>>
      %dma_start3A_151 = arith.constant 0 : i32
      %dma_start3A_152 = arith.constant 0 : i32
      %dma_start3A_153 = tpu.memref_slice %arg9[%dma_start3A_151, %dma_start3A_152] : memref<256x64xf32, #tpu.memory_space<vmem>> -> memref<128x64xf32, #tpu.memory_space<vmem>>
      tpu.enqueue_dma source(%dma_start3A_153 : memref<128x64xf32, #tpu.memory_space<vmem>>) target(%dma_start3A_150 : memref<128x64xf32, #tpu.memory_space<vmem_shared>>) target_semaphore(%run_scoped3A : memref<!tpu.dma_semaphore, #tpu.memory_space<semaphore_mem>>)
      %dma_wait3A_154 = arith.constant 0 : i32
      %dma_wait3A_155 = arith.constant 0 : i32
      %dma_wait3A_156 = tpu.memref_slice %arg9[%dma_wait3A_154, %dma_wait3A_155] : memref<256x64xf32, #tpu.memory_space<vmem>> -> memref<128x64xf32, #tpu.memory_space<vmem>>
      %dma_wait3A_157 = arith.constant 0 : i32
      %dma_wait3A_158 = tpu.memref_slice %arg13[%add3A_24, %dma_wait3A_157] : memref<10240x64xf32, #tpu.memory_space<vmem_shared>> -> memref<128x64xf32, #tpu.memory_space<vmem_shared>>
      %dma_wait3A_159 = arith.constant 0 : i32
      %dma_wait3A_160 = tpu.memref_slice %arg13[%add3A_24, %dma_wait3A_159] : memref<10240x64xf32, #tpu.memory_space<vmem_shared>> -> memref<128x64xf32, #tpu.memory_space<vmem_shared>>
      %dma_wait3A_161 = arith.constant 0 : i32
      %dma_wait3A_162 = arith.constant 0 : i32
      %dma_wait3A_163 = tpu.memref_slice %arg9[%dma_wait3A_161, %dma_wait3A_162] : memref<256x64xf32, #tpu.memory_space<vmem>> -> memref<128x64xf32, #tpu.memory_space<vmem>>
      tpu.wait_dma2 semaphore(%run_scoped3A : memref<!tpu.dma_semaphore, #tpu.memory_space<semaphore_mem>>) src(%dma_wait3A_163 : memref<128x64xf32, #tpu.memory_space<vmem>>) dst(%dma_wait3A_160 : memref<128x64xf32, #tpu.memory_space<vmem_shared>>)
      tpu.yield
    }) : () -> ()
    %barrier3A = arith.constant 0 : index
    tpu.barrier barrier_id(%barrier3A)
    %dma_start3A = arith.constant 0 : i32
    %dma_start3A_25 = arith.constant 0 : i32
    %dma_start3A_26 = tpu.memref_slice %arg7[%dma_start3A, %dma_start3A_25] : memref<40x256xi32, #tpu.memory_space<vmem>> -> memref<1x256xi32, #tpu.memory_space<vmem>>
    %dma_start3A_27 = tpu.memref_squeeze %dma_start3A_26 : memref<1x256xi32, #tpu.memory_space<vmem>> -> memref<256xi32, #tpu.memory_space<vmem>>
    %dma_start3A_28 = arith.constant 0 : i32
    %dma_start3A_29 = arith.constant 0 : i32
    %dma_start3A_30 = tpu.memref_slice %arg2[%dma_start3A_28, %dma_start3A_29] : memref<10240x64xf32, #tpu.memory_space<hbm>> -> memref<10240x64xf32, #tpu.memory_space<hbm>>
    tpu.enqueue_indirect_dma source(%dma_start3A_30 : memref<10240x64xf32, #tpu.memory_space<hbm>>) target(%arg9 : memref<256x64xf32, #tpu.memory_space<vmem>>) offsets(%dma_start3A_27 : memref<256xi32, #tpu.memory_space<vmem>>) semaphore(%arg14 : memref<!tpu.dma_semaphore, #tpu.memory_space<semaphore_mem>>)
    %dma_start3A_31 = arith.constant 1 : i32
    %dma_start3A_32 = arith.constant 0 : i32
    %dma_start3A_33 = tpu.memref_slice %arg7[%dma_start3A_31, %dma_start3A_32] : memref<40x256xi32, #tpu.memory_space<vmem>> -> memref<1x256xi32, #tpu.memory_space<vmem>>
    %dma_start3A_34 = tpu.memref_squeeze %dma_start3A_33 : memref<1x256xi32, #tpu.memory_space<vmem>> -> memref<256xi32, #tpu.memory_space<vmem>>
    %dma_start3A_35 = arith.constant 0 : i32
    %dma_start3A_36 = arith.constant 0 : i32
    %dma_start3A_37 = tpu.memref_slice %arg2[%dma_start3A_35, %dma_start3A_36] : memref<10240x64xf32, #tpu.memory_space<hbm>> -> memref<10240x64xf32, #tpu.memory_space<hbm>>
    tpu.enqueue_indirect_dma source(%dma_start3A_37 : memref<10240x64xf32, #tpu.memory_space<hbm>>) target(%arg10 : memref<256x64xf32, #tpu.memory_space<vmem>>) offsets(%dma_start3A_34 : memref<256xi32, #tpu.memory_space<vmem>>) semaphore(%arg15 : memref<!tpu.dma_semaphore, #tpu.memory_space<semaphore_mem>>)
    %dma_wait3A = arith.constant 0 : i32
    %dma_wait3A_38 = arith.constant 0 : i32
    %dma_wait3A_39 = tpu.memref_slice %arg7[%dma_wait3A, %dma_wait3A_38] : memref<40x256xi32, #tpu.memory_space<vmem>> -> memref<1x256xi32, #tpu.memory_space<vmem>>
    %dma_wait3A_40 = tpu.memref_squeeze %dma_wait3A_39 : memref<1x256xi32, #tpu.memory_space<vmem>> -> memref<256xi32, #tpu.memory_space<vmem>>
    %dma_wait3A_41 = arith.constant 0 : i32
    %dma_wait3A_42 = arith.constant 0 : i32
    %dma_wait3A_43 = tpu.memref_slice %arg2[%dma_wait3A_41, %dma_wait3A_42] : memref<10240x64xf32, #tpu.memory_space<hbm>> -> memref<10240x64xf32, #tpu.memory_space<hbm>>
    tpu.wait_indirect_dma semaphore(%arg14 : memref<!tpu.dma_semaphore, #tpu.memory_space<semaphore_mem>>) src(%dma_wait3A_43 : memref<10240x64xf32, #tpu.memory_space<hbm>>) dst(%arg9 : memref<256x64xf32, #tpu.memory_space<vmem>>)
    %dma_start3A_44 = arith.constant 0 : i32
    %dma_start3A_45 = arith.constant 0 : i32
    %dma_start3A_46 = tpu.memref_slice %arg8[%dma_start3A_44, %dma_start3A_45] : memref<40x256xi32, #tpu.memory_space<vmem>> -> memref<1x256xi32, #tpu.memory_space<vmem>>
    %dma_start3A_47 = tpu.memref_squeeze %dma_start3A_46 : memref<1x256xi32, #tpu.memory_space<vmem>> -> memref<256xi32, #tpu.memory_space<vmem>>
    %dma_start3A_48 = arith.constant 0 : i32
    %dma_start3A_49 = arith.constant 0 : i32
    %dma_start3A_50 = tpu.memref_slice %arg13[%dma_start3A_48, %dma_start3A_49] : memref<10240x64xf32, #tpu.memory_space<vmem_shared>> -> memref<10240x64xf32, #tpu.memory_space<vmem_shared>>
    tpu.enqueue_indirect_dma source(%arg9 : memref<256x64xf32, #tpu.memory_space<vmem>>) target(%dma_start3A_50 : memref<10240x64xf32, #tpu.memory_space<vmem_shared>>) offsets(%dma_start3A_47 : memref<256xi32, #tpu.memory_space<vmem>>) semaphore(%arg18 : memref<!tpu.dma_semaphore, #tpu.memory_space<semaphore_mem>>) {add = true}
    %dma_start3A_51 = arith.constant 2 : i32
    %dma_start3A_52 = arith.constant 0 : i32
    %dma_start3A_53 = tpu.memref_slice %arg7[%dma_start3A_51, %dma_start3A_52] : memref<40x256xi32, #tpu.memory_space<vmem>> -> memref<1x256xi32, #tpu.memory_space<vmem>>
    %dma_start3A_54 = tpu.memref_squeeze %dma_start3A_53 : memref<1x256xi32, #tpu.memory_space<vmem>> -> memref<256xi32, #tpu.memory_space<vmem>>
    %dma_start3A_55 = arith.constant 0 : i32
    %dma_start3A_56 = arith.constant 0 : i32
    %dma_start3A_57 = tpu.memref_slice %arg2[%dma_start3A_55, %dma_start3A_56] : memref<10240x64xf32, #tpu.memory_space<hbm>> -> memref<10240x64xf32, #tpu.memory_space<hbm>>
    tpu.enqueue_indirect_dma source(%dma_start3A_57 : memref<10240x64xf32, #tpu.memory_space<hbm>>) target(%arg11 : memref<256x64xf32, #tpu.memory_space<vmem>>) offsets(%dma_start3A_54 : memref<256xi32, #tpu.memory_space<vmem>>) semaphore(%arg16 : memref<!tpu.dma_semaphore, #tpu.memory_space<semaphore_mem>>)
    %dma_wait3A_58 = arith.constant 1 : i32
    %dma_wait3A_59 = arith.constant 0 : i32
    %dma_wait3A_60 = tpu.memref_slice %arg7[%dma_wait3A_58, %dma_wait3A_59] : memref<40x256xi32, #tpu.memory_space<vmem>> -> memref<1x256xi32, #tpu.memory_space<vmem>>
    %dma_wait3A_61 = tpu.memref_squeeze %dma_wait3A_60 : memref<1x256xi32, #tpu.memory_space<vmem>> -> memref<256xi32, #tpu.memory_space<vmem>>
    %dma_wait3A_62 = arith.constant 0 : i32
    %dma_wait3A_63 = arith.constant 0 : i32
    %dma_wait3A_64 = tpu.memref_slice %arg2[%dma_wait3A_62, %dma_wait3A_63] : memref<10240x64xf32, #tpu.memory_space<hbm>> -> memref<10240x64xf32, #tpu.memory_space<hbm>>
    tpu.wait_indirect_dma semaphore(%arg15 : memref<!tpu.dma_semaphore, #tpu.memory_space<semaphore_mem>>) src(%dma_wait3A_64 : memref<10240x64xf32, #tpu.memory_space<hbm>>) dst(%arg10 : memref<256x64xf32, #tpu.memory_space<vmem>>)
    %dma_start3A_65 = arith.constant 1 : i32
    %dma_start3A_66 = arith.constant 0 : i32
    %dma_start3A_67 = tpu.memref_slice %arg8[%dma_start3A_65, %dma_start3A_66] : memref<40x256xi32, #tpu.memory_space<vmem>> -> memref<1x256xi32, #tpu.memory_space<vmem>>
    %dma_start3A_68 = tpu.memref_squeeze %dma_start3A_67 : memref<1x256xi32, #tpu.memory_space<vmem>> -> memref<256xi32, #tpu.memory_space<vmem>>
    %dma_start3A_69 = arith.constant 0 : i32
    %dma_start3A_70 = arith.constant 0 : i32
    %dma_start3A_71 = tpu.memref_slice %arg13[%dma_start3A_69, %dma_start3A_70] : memref<10240x64xf32, #tpu.memory_space<vmem_shared>> -> memref<10240x64xf32, #tpu.memory_space<vmem_shared>>
    tpu.enqueue_indirect_dma source(%arg10 : memref<256x64xf32, #tpu.memory_space<vmem>>) target(%dma_start3A_71 : memref<10240x64xf32, #tpu.memory_space<vmem_shared>>) offsets(%dma_start3A_68 : memref<256xi32, #tpu.memory_space<vmem>>) semaphore(%arg19 : memref<!tpu.dma_semaphore, #tpu.memory_space<semaphore_mem>>) {add = true}
    %dma_start3A_72 = arith.constant 3 : i32
    %dma_start3A_73 = arith.constant 0 : i32
    %dma_start3A_74 = tpu.memref_slice %arg7[%dma_start3A_72, %dma_start3A_73] : memref<40x256xi32, #tpu.memory_space<vmem>> -> memref<1x256xi32, #tpu.memory_space<vmem>>
    %dma_start3A_75 = tpu.memref_squeeze %dma_start3A_74 : memref<1x256xi32, #tpu.memory_space<vmem>> -> memref<256xi32, #tpu.memory_space<vmem>>
    %dma_start3A_76 = arith.constant 0 : i32
    %dma_start3A_77 = arith.constant 0 : i32
    %dma_start3A_78 = tpu.memref_slice %arg2[%dma_start3A_76, %dma_start3A_77] : memref<10240x64xf32, #tpu.memory_space<hbm>> -> memref<10240x64xf32, #tpu.memory_space<hbm>>
    tpu.enqueue_indirect_dma source(%dma_start3A_78 : memref<10240x64xf32, #tpu.memory_space<hbm>>) target(%arg12 : memref<256x64xf32, #tpu.memory_space<vmem>>) offsets(%dma_start3A_75 : memref<256xi32, #tpu.memory_space<vmem>>) semaphore(%arg17 : memref<!tpu.dma_semaphore, #tpu.memory_space<semaphore_mem>>)
    %scan3A = arith.constant 0 : i32
    %scan3A_79 = arith.constant 9 : i32
    %scan3A_80 = arith.addi %scan3A, %scan3A_79 : i32
    %scan3A_81 = arith.constant 1 : i32
    scf.for %scan3A_144 = %scan3A to %scan3A_80 step %scan3A_81  : i32 {
      %mul3A_145 = arith.constant 4 : i32
      %mul3A_146 = arith.muli %mul3A_145, %scan3A_144 : i32
      %add3A_147 = arith.constant 2 : i32
      %add3A_148 = arith.addi %mul3A_146, %add3A_147 : i32
      %add3A_149 = arith.constant 0 : i32
      %add3A_150 = arith.addi %add3A_148, %add3A_149 : i32
      %dma_wait3A_151 = arith.constant 0 : i32
      %dma_wait3A_152 = tpu.memref_slice %arg7[%add3A_150, %dma_wait3A_151] : memref<40x256xi32, #tpu.memory_space<vmem>> -> memref<1x256xi32, #tpu.memory_space<vmem>>
      %dma_wait3A_153 = tpu.memref_squeeze %dma_wait3A_152 : memref<1x256xi32, #tpu.memory_space<vmem>> -> memref<256xi32, #tpu.memory_space<vmem>>
      %dma_wait3A_154 = arith.constant 0 : i32
      %dma_wait3A_155 = arith.constant 0 : i32
      %dma_wait3A_156 = tpu.memref_slice %arg2[%dma_wait3A_154, %dma_wait3A_155] : memref<10240x64xf32, #tpu.memory_space<hbm>> -> memref<10240x64xf32, #tpu.memory_space<hbm>>
      tpu.wait_indirect_dma semaphore(%arg16 : memref<!tpu.dma_semaphore, #tpu.memory_space<semaphore_mem>>) src(%dma_wait3A_156 : memref<10240x64xf32, #tpu.memory_space<hbm>>) dst(%arg11 : memref<256x64xf32, #tpu.memory_space<vmem>>)
      %dma_start3A_157 = arith.constant 0 : i32
      %dma_start3A_158 = tpu.memref_slice %arg8[%add3A_150, %dma_start3A_157] : memref<40x256xi32, #tpu.memory_space<vmem>> -> memref<1x256xi32, #tpu.memory_space<vmem>>
      %dma_start3A_159 = tpu.memref_squeeze %dma_start3A_158 : memref<1x256xi32, #tpu.memory_space<vmem>> -> memref<256xi32, #tpu.memory_space<vmem>>
      %dma_start3A_160 = arith.constant 0 : i32
      %dma_start3A_161 = arith.constant 0 : i32
      %dma_start3A_162 = tpu.memref_slice %arg13[%dma_start3A_160, %dma_start3A_161] : memref<10240x64xf32, #tpu.memory_space<vmem_shared>> -> memref<10240x64xf32, #tpu.memory_space<vmem_shared>>
      tpu.enqueue_indirect_dma source(%arg11 : memref<256x64xf32, #tpu.memory_space<vmem>>) target(%dma_start3A_162 : memref<10240x64xf32, #tpu.memory_space<vmem_shared>>) offsets(%dma_start3A_159 : memref<256xi32, #tpu.memory_space<vmem>>) semaphore(%arg20 : memref<!tpu.dma_semaphore, #tpu.memory_space<semaphore_mem>>) {add = true}
      %sub3A = arith.constant 2 : i32
      %sub3A_163 = arith.subi %add3A_150, %sub3A : i32
      %dma_wait3A_164 = arith.constant 0 : i32
      %dma_wait3A_165 = tpu.memref_slice %arg8[%sub3A_163, %dma_wait3A_164] : memref<40x256xi32, #tpu.memory_space<vmem>> -> memref<1x256xi32, #tpu.memory_space<vmem>>
      %dma_wait3A_166 = tpu.memref_squeeze %dma_wait3A_165 : memref<1x256xi32, #tpu.memory_space<vmem>> -> memref<256xi32, #tpu.memory_space<vmem>>
      %dma_wait3A_167 = arith.constant 0 : i32
      %dma_wait3A_168 = arith.constant 0 : i32
      %dma_wait3A_169 = tpu.memref_slice %arg13[%dma_wait3A_167, %dma_wait3A_168] : memref<10240x64xf32, #tpu.memory_space<vmem_shared>> -> memref<10240x64xf32, #tpu.memory_space<vmem_shared>>
      tpu.wait_indirect_dma semaphore(%arg18 : memref<!tpu.dma_semaphore, #tpu.memory_space<semaphore_mem>>) src(%arg9 : memref<256x64xf32, #tpu.memory_space<vmem>>) dst(%dma_wait3A_169 : memref<10240x64xf32, #tpu.memory_space<vmem_shared>>)
      %add3A_170 = arith.constant 2 : i32
      %add3A_171 = arith.addi %add3A_150, %add3A_170 : i32
      %dma_start3A_172 = arith.constant 0 : i32
      %dma_start3A_173 = tpu.memref_slice %arg7[%add3A_171, %dma_start3A_172] : memref<40x256xi32, #tpu.memory_space<vmem>> -> memref<1x256xi32, #tpu.memory_space<vmem>>
      %dma_start3A_174 = tpu.memref_squeeze %dma_start3A_173 : memref<1x256xi32, #tpu.memory_space<vmem>> -> memref<256xi32, #tpu.memory_space<vmem>>
      %dma_start3A_175 = arith.constant 0 : i32
      %dma_start3A_176 = arith.constant 0 : i32
      %dma_start3A_177 = tpu.memref_slice %arg2[%dma_start3A_175, %dma_start3A_176] : memref<10240x64xf32, #tpu.memory_space<hbm>> -> memref<10240x64xf32, #tpu.memory_space<hbm>>
      tpu.enqueue_indirect_dma source(%dma_start3A_177 : memref<10240x64xf32, #tpu.memory_space<hbm>>) target(%arg9 : memref<256x64xf32, #tpu.memory_space<vmem>>) offsets(%dma_start3A_174 : memref<256xi32, #tpu.memory_space<vmem>>) semaphore(%arg14 : memref<!tpu.dma_semaphore, #tpu.memory_space<semaphore_mem>>)
      %mul3A_178 = arith.constant 4 : i32
      %mul3A_179 = arith.muli %mul3A_178, %scan3A_144 : i32
      %add3A_180 = arith.constant 2 : i32
      %add3A_181 = arith.addi %mul3A_179, %add3A_180 : i32
      %add3A_182 = arith.constant 1 : i32
      %add3A_183 = arith.addi %add3A_181, %add3A_182 : i32
      %dma_wait3A_184 = arith.constant 0 : i32
      %dma_wait3A_185 = tpu.memref_slice %arg7[%add3A_183, %dma_wait3A_184] : memref<40x256xi32, #tpu.memory_space<vmem>> -> memref<1x256xi32, #tpu.memory_space<vmem>>
      %dma_wait3A_186 = tpu.memref_squeeze %dma_wait3A_185 : memref<1x256xi32, #tpu.memory_space<vmem>> -> memref<256xi32, #tpu.memory_space<vmem>>
      %dma_wait3A_187 = arith.constant 0 : i32
      %dma_wait3A_188 = arith.constant 0 : i32
      %dma_wait3A_189 = tpu.memref_slice %arg2[%dma_wait3A_187, %dma_wait3A_188] : memref<10240x64xf32, #tpu.memory_space<hbm>> -> memref<10240x64xf32, #tpu.memory_space<hbm>>
      tpu.wait_indirect_dma semaphore(%arg17 : memref<!tpu.dma_semaphore, #tpu.memory_space<semaphore_mem>>) src(%dma_wait3A_189 : memref<10240x64xf32, #tpu.memory_space<hbm>>) dst(%arg12 : memref<256x64xf32, #tpu.memory_space<vmem>>)
      %dma_start3A_190 = arith.constant 0 : i32
      %dma_start3A_191 = tpu.memref_slice %arg8[%add3A_183, %dma_start3A_190] : memref<40x256xi32, #tpu.memory_space<vmem>> -> memref<1x256xi32, #tpu.memory_space<vmem>>
      %dma_start3A_192 = tpu.memref_squeeze %dma_start3A_191 : memref<1x256xi32, #tpu.memory_space<vmem>> -> memref<256xi32, #tpu.memory_space<vmem>>
      %dma_start3A_193 = arith.constant 0 : i32
      %dma_start3A_194 = arith.constant 0 : i32
      %dma_start3A_195 = tpu.memref_slice %arg13[%dma_start3A_193, %dma_start3A_194] : memref<10240x64xf32, #tpu.memory_space<vmem_shared>> -> memref<10240x64xf32, #tpu.memory_space<vmem_shared>>
      tpu.enqueue_indirect_dma source(%arg12 : memref<256x64xf32, #tpu.memory_space<vmem>>) target(%dma_start3A_195 : memref<10240x64xf32, #tpu.memory_space<vmem_shared>>) offsets(%dma_start3A_192 : memref<256xi32, #tpu.memory_space<vmem>>) semaphore(%arg21 : memref<!tpu.dma_semaphore, #tpu.memory_space<semaphore_mem>>) {add = true}
      %sub3A_196 = arith.constant 2 : i32
      %sub3A_197 = arith.subi %add3A_183, %sub3A_196 : i32
      %dma_wait3A_198 = arith.constant 0 : i32
      %dma_wait3A_199 = tpu.memref_slice %arg8[%sub3A_197, %dma_wait3A_198] : memref<40x256xi32, #tpu.memory_space<vmem>> -> memref<1x256xi32, #tpu.memory_space<vmem>>
      %dma_wait3A_200 = tpu.memref_squeeze %dma_wait3A_199 : memref<1x256xi32, #tpu.memory_space<vmem>> -> memref<256xi32, #tpu.memory_space<vmem>>
      %dma_wait3A_201 = arith.constant 0 : i32
      %dma_wait3A_202 = arith.constant 0 : i32
      %dma_wait3A_203 = tpu.memref_slice %arg13[%dma_wait3A_201, %dma_wait3A_202] : memref<10240x64xf32, #tpu.memory_space<vmem_shared>> -> memref<10240x64xf32, #tpu.memory_space<vmem_shared>>
      tpu.wait_indirect_dma semaphore(%arg19 : memref<!tpu.dma_semaphore, #tpu.memory_space<semaphore_mem>>) src(%arg10 : memref<256x64xf32, #tpu.memory_space<vmem>>) dst(%dma_wait3A_203 : memref<10240x64xf32, #tpu.memory_space<vmem_shared>>)
      %add3A_204 = arith.constant 2 : i32
      %add3A_205 = arith.addi %add3A_183, %add3A_204 : i32
      %dma_start3A_206 = arith.constant 0 : i32
      %dma_start3A_207 = tpu.memref_slice %arg7[%add3A_205, %dma_start3A_206] : memref<40x256xi32, #tpu.memory_space<vmem>> -> memref<1x256xi32, #tpu.memory_space<vmem>>
      %dma_start3A_208 = tpu.memref_squeeze %dma_start3A_207 : memref<1x256xi32, #tpu.memory_space<vmem>> -> memref<256xi32, #tpu.memory_space<vmem>>
      %dma_start3A_209 = arith.constant 0 : i32
      %dma_start3A_210 = arith.constant 0 : i32
      %dma_start3A_211 = tpu.memref_slice %arg2[%dma_start3A_209, %dma_start3A_210] : memref<10240x64xf32, #tpu.memory_space<hbm>> -> memref<10240x64xf32, #tpu.memory_space<hbm>>
      tpu.enqueue_indirect_dma source(%dma_start3A_211 : memref<10240x64xf32, #tpu.memory_space<hbm>>) target(%arg10 : memref<256x64xf32, #tpu.memory_space<vmem>>) offsets(%dma_start3A_208 : memref<256xi32, #tpu.memory_space<vmem>>) semaphore(%arg15 : memref<!tpu.dma_semaphore, #tpu.memory_space<semaphore_mem>>)
      %mul3A_212 = arith.constant 4 : i32
      %mul3A_213 = arith.muli %mul3A_212, %scan3A_144 : i32
      %add3A_214 = arith.constant 2 : i32
      %add3A_215 = arith.addi %mul3A_213, %add3A_214 : i32
      %add3A_216 = arith.constant 2 : i32
      %add3A_217 = arith.addi %add3A_215, %add3A_216 : i32
      %dma_wait3A_218 = arith.constant 0 : i32
      %dma_wait3A_219 = tpu.memref_slice %arg7[%add3A_217, %dma_wait3A_218] : memref<40x256xi32, #tpu.memory_space<vmem>> -> memref<1x256xi32, #tpu.memory_space<vmem>>
      %dma_wait3A_220 = tpu.memref_squeeze %dma_wait3A_219 : memref<1x256xi32, #tpu.memory_space<vmem>> -> memref<256xi32, #tpu.memory_space<vmem>>
      %dma_wait3A_221 = arith.constant 0 : i32
      %dma_wait3A_222 = arith.constant 0 : i32
      %dma_wait3A_223 = tpu.memref_slice %arg2[%dma_wait3A_221, %dma_wait3A_222] : memref<10240x64xf32, #tpu.memory_space<hbm>> -> memref<10240x64xf32, #tpu.memory_space<hbm>>
      tpu.wait_indirect_dma semaphore(%arg14 : memref<!tpu.dma_semaphore, #tpu.memory_space<semaphore_mem>>) src(%dma_wait3A_223 : memref<10240x64xf32, #tpu.memory_space<hbm>>) dst(%arg9 : memref<256x64xf32, #tpu.memory_space<vmem>>)
      %dma_start3A_224 = arith.constant 0 : i32
      %dma_start3A_225 = tpu.memref_slice %arg8[%add3A_217, %dma_start3A_224] : memref<40x256xi32, #tpu.memory_space<vmem>> -> memref<1x256xi32, #tpu.memory_space<vmem>>
      %dma_start3A_226 = tpu.memref_squeeze %dma_start3A_225 : memref<1x256xi32, #tpu.memory_space<vmem>> -> memref<256xi32, #tpu.memory_space<vmem>>
      %dma_start3A_227 = arith.constant 0 : i32
      %dma_start3A_228 = arith.constant 0 : i32
      %dma_start3A_229 = tpu.memref_slice %arg13[%dma_start3A_227, %dma_start3A_228] : memref<10240x64xf32, #tpu.memory_space<vmem_shared>> -> memref<10240x64xf32, #tpu.memory_space<vmem_shared>>
      tpu.enqueue_indirect_dma source(%arg9 : memref<256x64xf32, #tpu.memory_space<vmem>>) target(%dma_start3A_229 : memref<10240x64xf32, #tpu.memory_space<vmem_shared>>) offsets(%dma_start3A_226 : memref<256xi32, #tpu.memory_space<vmem>>) semaphore(%arg18 : memref<!tpu.dma_semaphore, #tpu.memory_space<semaphore_mem>>) {add = true}
      %sub3A_230 = arith.constant 2 : i32
      %sub3A_231 = arith.subi %add3A_217, %sub3A_230 : i32
      %dma_wait3A_232 = arith.constant 0 : i32
      %dma_wait3A_233 = tpu.memref_slice %arg8[%sub3A_231, %dma_wait3A_232] : memref<40x256xi32, #tpu.memory_space<vmem>> -> memref<1x256xi32, #tpu.memory_space<vmem>>
      %dma_wait3A_234 = tpu.memref_squeeze %dma_wait3A_233 : memref<1x256xi32, #tpu.memory_space<vmem>> -> memref<256xi32, #tpu.memory_space<vmem>>
      %dma_wait3A_235 = arith.constant 0 : i32
      %dma_wait3A_236 = arith.constant 0 : i32
      %dma_wait3A_237 = tpu.memref_slice %arg13[%dma_wait3A_235, %dma_wait3A_236] : memref<10240x64xf32, #tpu.memory_space<vmem_shared>> -> memref<10240x64xf32, #tpu.memory_space<vmem_shared>>
      tpu.wait_indirect_dma semaphore(%arg20 : memref<!tpu.dma_semaphore, #tpu.memory_space<semaphore_mem>>) src(%arg11 : memref<256x64xf32, #tpu.memory_space<vmem>>) dst(%dma_wait3A_237 : memref<10240x64xf32, #tpu.memory_space<vmem_shared>>)
      %add3A_238 = arith.constant 2 : i32
      %add3A_239 = arith.addi %add3A_217, %add3A_238 : i32
      %dma_start3A_240 = arith.constant 0 : i32
      %dma_start3A_241 = tpu.memref_slice %arg7[%add3A_239, %dma_start3A_240] : memref<40x256xi32, #tpu.memory_space<vmem>> -> memref<1x256xi32, #tpu.memory_space<vmem>>
      %dma_start3A_242 = tpu.memref_squeeze %dma_start3A_241 : memref<1x256xi32, #tpu.memory_space<vmem>> -> memref<256xi32, #tpu.memory_space<vmem>>
      %dma_start3A_243 = arith.constant 0 : i32
      %dma_start3A_244 = arith.constant 0 : i32
      %dma_start3A_245 = tpu.memref_slice %arg2[%dma_start3A_243, %dma_start3A_244] : memref<10240x64xf32, #tpu.memory_space<hbm>> -> memref<10240x64xf32, #tpu.memory_space<hbm>>
      tpu.enqueue_indirect_dma source(%dma_start3A_245 : memref<10240x64xf32, #tpu.memory_space<hbm>>) target(%arg11 : memref<256x64xf32, #tpu.memory_space<vmem>>) offsets(%dma_start3A_242 : memref<256xi32, #tpu.memory_space<vmem>>) semaphore(%arg16 : memref<!tpu.dma_semaphore, #tpu.memory_space<semaphore_mem>>)
      %mul3A_246 = arith.constant 4 : i32
      %mul3A_247 = arith.muli %mul3A_246, %scan3A_144 : i32
      %add3A_248 = arith.constant 2 : i32
      %add3A_249 = arith.addi %mul3A_247, %add3A_248 : i32
      %add3A_250 = arith.constant 3 : i32
      %add3A_251 = arith.addi %add3A_249, %add3A_250 : i32
      %dma_wait3A_252 = arith.constant 0 : i32
      %dma_wait3A_253 = tpu.memref_slice %arg7[%add3A_251, %dma_wait3A_252] : memref<40x256xi32, #tpu.memory_space<vmem>> -> memref<1x256xi32, #tpu.memory_space<vmem>>
      %dma_wait3A_254 = tpu.memref_squeeze %dma_wait3A_253 : memref<1x256xi32, #tpu.memory_space<vmem>> -> memref<256xi32, #tpu.memory_space<vmem>>
      %dma_wait3A_255 = arith.constant 0 : i32
      %dma_wait3A_256 = arith.constant 0 : i32
      %dma_wait3A_257 = tpu.memref_slice %arg2[%dma_wait3A_255, %dma_wait3A_256] : memref<10240x64xf32, #tpu.memory_space<hbm>> -> memref<10240x64xf32, #tpu.memory_space<hbm>>
      tpu.wait_indirect_dma semaphore(%arg15 : memref<!tpu.dma_semaphore, #tpu.memory_space<semaphore_mem>>) src(%dma_wait3A_257 : memref<10240x64xf32, #tpu.memory_space<hbm>>) dst(%arg10 : memref<256x64xf32, #tpu.memory_space<vmem>>)
      %dma_start3A_258 = arith.constant 0 : i32
      %dma_start3A_259 = tpu.memref_slice %arg8[%add3A_251, %dma_start3A_258] : memref<40x256xi32, #tpu.memory_space<vmem>> -> memref<1x256xi32, #tpu.memory_space<vmem>>
      %dma_start3A_260 = tpu.memref_squeeze %dma_start3A_259 : memref<1x256xi32, #tpu.memory_space<vmem>> -> memref<256xi32, #tpu.memory_space<vmem>>
      %dma_start3A_261 = arith.constant 0 : i32
      %dma_start3A_262 = arith.constant 0 : i32
      %dma_start3A_263 = tpu.memref_slice %arg13[%dma_start3A_261, %dma_start3A_262] : memref<10240x64xf32, #tpu.memory_space<vmem_shared>> -> memref<10240x64xf32, #tpu.memory_space<vmem_shared>>
      tpu.enqueue_indirect_dma source(%arg10 : memref<256x64xf32, #tpu.memory_space<vmem>>) target(%dma_start3A_263 : memref<10240x64xf32, #tpu.memory_space<vmem_shared>>) offsets(%dma_start3A_260 : memref<256xi32, #tpu.memory_space<vmem>>) semaphore(%arg19 : memref<!tpu.dma_semaphore, #tpu.memory_space<semaphore_mem>>) {add = true}
      %sub3A_264 = arith.constant 2 : i32
      %sub3A_265 = arith.subi %add3A_251, %sub3A_264 : i32
      %dma_wait3A_266 = arith.constant 0 : i32
      %dma_wait3A_267 = tpu.memref_slice %arg8[%sub3A_265, %dma_wait3A_266] : memref<40x256xi32, #tpu.memory_space<vmem>> -> memref<1x256xi32, #tpu.memory_space<vmem>>
      %dma_wait3A_268 = tpu.memref_squeeze %dma_wait3A_267 : memref<1x256xi32, #tpu.memory_space<vmem>> -> memref<256xi32, #tpu.memory_space<vmem>>
      %dma_wait3A_269 = arith.constant 0 : i32
      %dma_wait3A_270 = arith.constant 0 : i32
      %dma_wait3A_271 = tpu.memref_slice %arg13[%dma_wait3A_269, %dma_wait3A_270] : memref<10240x64xf32, #tpu.memory_space<vmem_shared>> -> memref<10240x64xf32, #tpu.memory_space<vmem_shared>>
      tpu.wait_indirect_dma semaphore(%arg21 : memref<!tpu.dma_semaphore, #tpu.memory_space<semaphore_mem>>) src(%arg12 : memref<256x64xf32, #tpu.memory_space<vmem>>) dst(%dma_wait3A_271 : memref<10240x64xf32, #tpu.memory_space<vmem_shared>>)
      %add3A_272 = arith.constant 2 : i32
      %add3A_273 = arith.addi %add3A_251, %add3A_272 : i32
      %dma_start3A_274 = arith.constant 0 : i32
      %dma_start3A_275 = tpu.memref_slice %arg7[%add3A_273, %dma_start3A_274] : memref<40x256xi32, #tpu.memory_space<vmem>> -> memref<1x256xi32, #tpu.memory_space<vmem>>
      %dma_start3A_276 = tpu.memref_squeeze %dma_start3A_275 : memref<1x256xi32, #tpu.memory_space<vmem>> -> memref<256xi32, #tpu.memory_space<vmem>>
      %dma_start3A_277 = arith.constant 0 : i32
      %dma_start3A_278 = arith.constant 0 : i32
      %dma_start3A_279 = tpu.memref_slice %arg2[%dma_start3A_277, %dma_start3A_278] : memref<10240x64xf32, #tpu.memory_space<hbm>> -> memref<10240x64xf32, #tpu.memory_space<hbm>>
      tpu.enqueue_indirect_dma source(%dma_start3A_279 : memref<10240x64xf32, #tpu.memory_space<hbm>>) target(%arg12 : memref<256x64xf32, #tpu.memory_space<vmem>>) offsets(%dma_start3A_276 : memref<256xi32, #tpu.memory_space<vmem>>) semaphore(%arg17 : memref<!tpu.dma_semaphore, #tpu.memory_space<semaphore_mem>>)
    }
    %scan3A_82 = arith.constant 9 : i32
    %dma_wait3A_83 = arith.constant 38 : i32
    %dma_wait3A_84 = arith.constant 0 : i32
    %dma_wait3A_85 = tpu.memref_slice %arg7[%dma_wait3A_83, %dma_wait3A_84] : memref<40x256xi32, #tpu.memory_space<vmem>> -> memref<1x256xi32, #tpu.memory_space<vmem>>
    %dma_wait3A_86 = tpu.memref_squeeze %dma_wait3A_85 : memref<1x256xi32, #tpu.memory_space<vmem>> -> memref<256xi32, #tpu.memory_space<vmem>>
    %dma_wait3A_87 = arith.constant 0 : i32
    %dma_wait3A_88 = arith.constant 0 : i32
    %dma_wait3A_89 = tpu.memref_slice %arg2[%dma_wait3A_87, %dma_wait3A_88] : memref<10240x64xf32, #tpu.memory_space<hbm>> -> memref<10240x64xf32, #tpu.memory_space<hbm>>
    tpu.wait_indirect_dma semaphore(%arg16 : memref<!tpu.dma_semaphore, #tpu.memory_space<semaphore_mem>>) src(%dma_wait3A_89 : memref<10240x64xf32, #tpu.memory_space<hbm>>) dst(%arg11 : memref<256x64xf32, #tpu.memory_space<vmem>>)
    %dma_start3A_90 = arith.constant 38 : i32
    %dma_start3A_91 = arith.constant 0 : i32
    %dma_start3A_92 = tpu.memref_slice %arg8[%dma_start3A_90, %dma_start3A_91] : memref<40x256xi32, #tpu.memory_space<vmem>> -> memref<1x256xi32, #tpu.memory_space<vmem>>
    %dma_start3A_93 = tpu.memref_squeeze %dma_start3A_92 : memref<1x256xi32, #tpu.memory_space<vmem>> -> memref<256xi32, #tpu.memory_space<vmem>>
    %dma_start3A_94 = arith.constant 0 : i32
    %dma_start3A_95 = arith.constant 0 : i32
    %dma_start3A_96 = tpu.memref_slice %arg13[%dma_start3A_94, %dma_start3A_95] : memref<10240x64xf32, #tpu.memory_space<vmem_shared>> -> memref<10240x64xf32, #tpu.memory_space<vmem_shared>>
    tpu.enqueue_indirect_dma source(%arg11 : memref<256x64xf32, #tpu.memory_space<vmem>>) target(%dma_start3A_96 : memref<10240x64xf32, #tpu.memory_space<vmem_shared>>) offsets(%dma_start3A_93 : memref<256xi32, #tpu.memory_space<vmem>>) semaphore(%arg20 : memref<!tpu.dma_semaphore, #tpu.memory_space<semaphore_mem>>) {add = true}
    %dma_wait3A_97 = arith.constant 39 : i32
    %dma_wait3A_98 = arith.constant 0 : i32
    %dma_wait3A_99 = tpu.memref_slice %arg7[%dma_wait3A_97, %dma_wait3A_98] : memref<40x256xi32, #tpu.memory_space<vmem>> -> memref<1x256xi32, #tpu.memory_space<vmem>>
    %dma_wait3A_100 = tpu.memref_squeeze %dma_wait3A_99 : memref<1x256xi32, #tpu.memory_space<vmem>> -> memref<256xi32, #tpu.memory_space<vmem>>
    %dma_wait3A_101 = arith.constant 0 : i32
    %dma_wait3A_102 = arith.constant 0 : i32
    %dma_wait3A_103 = tpu.memref_slice %arg2[%dma_wait3A_101, %dma_wait3A_102] : memref<10240x64xf32, #tpu.memory_space<hbm>> -> memref<10240x64xf32, #tpu.memory_space<hbm>>
    tpu.wait_indirect_dma semaphore(%arg17 : memref<!tpu.dma_semaphore, #tpu.memory_space<semaphore_mem>>) src(%dma_wait3A_103 : memref<10240x64xf32, #tpu.memory_space<hbm>>) dst(%arg12 : memref<256x64xf32, #tpu.memory_space<vmem>>)
    %dma_start3A_104 = arith.constant 39 : i32
    %dma_start3A_105 = arith.constant 0 : i32
    %dma_start3A_106 = tpu.memref_slice %arg8[%dma_start3A_104, %dma_start3A_105] : memref<40x256xi32, #tpu.memory_space<vmem>> -> memref<1x256xi32, #tpu.memory_space<vmem>>
    %dma_start3A_107 = tpu.memref_squeeze %dma_start3A_106 : memref<1x256xi32, #tpu.memory_space<vmem>> -> memref<256xi32, #tpu.memory_space<vmem>>
    %dma_start3A_108 = arith.constant 0 : i32
    %dma_start3A_109 = arith.constant 0 : i32
    %dma_start3A_110 = tpu.memref_slice %arg13[%dma_start3A_108, %dma_start3A_109] : memref<10240x64xf32, #tpu.memory_space<vmem_shared>> -> memref<10240x64xf32, #tpu.memory_space<vmem_shared>>
    tpu.enqueue_indirect_dma source(%arg12 : memref<256x64xf32, #tpu.memory_space<vmem>>) target(%dma_start3A_110 : memref<10240x64xf32, #tpu.memory_space<vmem_shared>>) offsets(%dma_start3A_107 : memref<256xi32, #tpu.memory_space<vmem>>) semaphore(%arg21 : memref<!tpu.dma_semaphore, #tpu.memory_space<semaphore_mem>>) {add = true}
    %dma_wait3A_111 = arith.constant 36 : i32
    %dma_wait3A_112 = arith.constant 0 : i32
    %dma_wait3A_113 = tpu.memref_slice %arg8[%dma_wait3A_111, %dma_wait3A_112] : memref<40x256xi32, #tpu.memory_space<vmem>> -> memref<1x256xi32, #tpu.memory_space<vmem>>
    %dma_wait3A_114 = tpu.memref_squeeze %dma_wait3A_113 : memref<1x256xi32, #tpu.memory_space<vmem>> -> memref<256xi32, #tpu.memory_space<vmem>>
    %dma_wait3A_115 = arith.constant 0 : i32
    %dma_wait3A_116 = arith.constant 0 : i32
    %dma_wait3A_117 = tpu.memref_slice %arg13[%dma_wait3A_115, %dma_wait3A_116] : memref<10240x64xf32, #tpu.memory_space<vmem_shared>> -> memref<10240x64xf32, #tpu.memory_space<vmem_shared>>
    tpu.wait_indirect_dma semaphore(%arg18 : memref<!tpu.dma_semaphore, #tpu.memory_space<semaphore_mem>>) src(%arg9 : memref<256x64xf32, #tpu.memory_space<vmem>>) dst(%dma_wait3A_117 : memref<10240x64xf32, #tpu.memory_space<vmem_shared>>)
    %dma_wait3A_118 = arith.constant 37 : i32
    %dma_wait3A_119 = arith.constant 0 : i32
    %dma_wait3A_120 = tpu.memref_slice %arg8[%dma_wait3A_118, %dma_wait3A_119] : memref<40x256xi32, #tpu.memory_space<vmem>> -> memref<1x256xi32, #tpu.memory_space<vmem>>
    %dma_wait3A_121 = tpu.memref_squeeze %dma_wait3A_120 : memref<1x256xi32, #tpu.memory_space<vmem>> -> memref<256xi32, #tpu.memory_space<vmem>>
    %dma_wait3A_122 = arith.constant 0 : i32
    %dma_wait3A_123 = arith.constant 0 : i32
    %dma_wait3A_124 = tpu.memref_slice %arg13[%dma_wait3A_122, %dma_wait3A_123] : memref<10240x64xf32, #tpu.memory_space<vmem_shared>> -> memref<10240x64xf32, #tpu.memory_space<vmem_shared>>
    tpu.wait_indirect_dma semaphore(%arg19 : memref<!tpu.dma_semaphore, #tpu.memory_space<semaphore_mem>>) src(%arg10 : memref<256x64xf32, #tpu.memory_space<vmem>>) dst(%dma_wait3A_124 : memref<10240x64xf32, #tpu.memory_space<vmem_shared>>)
    %dma_wait3A_125 = arith.constant 38 : i32
    %dma_wait3A_126 = arith.constant 0 : i32
    %dma_wait3A_127 = tpu.memref_slice %arg8[%dma_wait3A_125, %dma_wait3A_126] : memref<40x256xi32, #tpu.memory_space<vmem>> -> memref<1x256xi32, #tpu.memory_space<vmem>>
    %dma_wait3A_128 = tpu.memref_squeeze %dma_wait3A_127 : memref<1x256xi32, #tpu.memory_space<vmem>> -> memref<256xi32, #tpu.memory_space<vmem>>
    %dma_wait3A_129 = arith.constant 0 : i32
    %dma_wait3A_130 = arith.constant 0 : i32
    %dma_wait3A_131 = tpu.memref_slice %arg13[%dma_wait3A_129, %dma_wait3A_130] : memref<10240x64xf32, #tpu.memory_space<vmem_shared>> -> memref<10240x64xf32, #tpu.memory_space<vmem_shared>>
    tpu.wait_indirect_dma semaphore(%arg20 : memref<!tpu.dma_semaphore, #tpu.memory_space<semaphore_mem>>) src(%arg11 : memref<256x64xf32, #tpu.memory_space<vmem>>) dst(%dma_wait3A_131 : memref<10240x64xf32, #tpu.memory_space<vmem_shared>>)
    %dma_wait3A_132 = arith.constant 39 : i32
    %dma_wait3A_133 = arith.constant 0 : i32
    %dma_wait3A_134 = tpu.memref_slice %arg8[%dma_wait3A_132, %dma_wait3A_133] : memref<40x256xi32, #tpu.memory_space<vmem>> -> memref<1x256xi32, #tpu.memory_space<vmem>>
    %dma_wait3A_135 = tpu.memref_squeeze %dma_wait3A_134 : memref<1x256xi32, #tpu.memory_space<vmem>> -> memref<256xi32, #tpu.memory_space<vmem>>
    %dma_wait3A_136 = arith.constant 0 : i32
    %dma_wait3A_137 = arith.constant 0 : i32
    %dma_wait3A_138 = tpu.memref_slice %arg13[%dma_wait3A_136, %dma_wait3A_137] : memref<10240x64xf32, #tpu.memory_space<vmem_shared>> -> memref<10240x64xf32, #tpu.memory_space<vmem_shared>>
    tpu.wait_indirect_dma semaphore(%arg21 : memref<!tpu.dma_semaphore, #tpu.memory_space<semaphore_mem>>) src(%arg12 : memref<256x64xf32, #tpu.memory_space<vmem>>) dst(%dma_wait3A_138 : memref<10240x64xf32, #tpu.memory_space<vmem_shared>>)
    %barrier3A_139 = arith.constant 0 : index
    tpu.barrier barrier_id(%barrier3A_139)
    %mul3A_140 = arith.constant 640 : i32
    %mul3A_141 = arith.muli %arg1, %mul3A_140 : i32
    %mul3A_142 = arith.constant 640 : i32
    %mul3A_143 = arith.muli %arg1, %mul3A_142 : i32
    "tpu.region"() ({
      %run_scoped3A = tpu.sem_alloc : memref<!tpu.dma_semaphore, #tpu.memory_space<semaphore_mem>>
      %dma_start3A_144 = arith.constant 0 : i32
      %dma_start3A_145 = tpu.memref_slice %arg6[%arg0, %mul3A_143, %dma_start3A_144] : memref<2x10240x64xf32, #tpu.memory_space<hbm>> -> memref<1x640x64xf32, #tpu.memory_space<hbm>>
      %dma_start3A_146 = tpu.memref_squeeze %dma_start3A_145 : memref<1x640x64xf32, #tpu.memory_space<hbm>> -> memref<640x64xf32, #tpu.memory_space<hbm>>
      %dma_start3A_147 = arith.constant 0 : i32
      %dma_start3A_148 = tpu.memref_slice %arg13[%mul3A_141, %dma_start3A_147] : memref<10240x64xf32, #tpu.memory_space<vmem_shared>> -> memref<640x64xf32, #tpu.memory_space<vmem_shared>>
      tpu.enqueue_dma source(%dma_start3A_148 : memref<640x64xf32, #tpu.memory_space<vmem_shared>>) target(%dma_start3A_146 : memref<640x64xf32, #tpu.memory_space<hbm>>) target_semaphore(%run_scoped3A : memref<!tpu.dma_semaphore, #tpu.memory_space<semaphore_mem>>)
      %dma_wait3A_149 = arith.constant 0 : i32
      %dma_wait3A_150 = tpu.memref_slice %arg6[%arg0, %mul3A_143, %dma_wait3A_149] : memref<2x10240x64xf32, #tpu.memory_space<hbm>> -> memref<1x640x64xf32, #tpu.memory_space<hbm>>
      %dma_wait3A_151 = tpu.memref_squeeze %dma_wait3A_150 : memref<1x640x64xf32, #tpu.memory_space<hbm>> -> memref<640x64xf32, #tpu.memory_space<hbm>>
      %dma_wait3A_152 = arith.constant 0 : i32
      %dma_wait3A_153 = tpu.memref_slice %arg13[%mul3A_141, %dma_wait3A_152] : memref<10240x64xf32, #tpu.memory_space<vmem_shared>> -> memref<640x64xf32, #tpu.memory_space<vmem_shared>>
      tpu.wait_dma2 semaphore(%run_scoped3A : memref<!tpu.dma_semaphore, #tpu.memory_space<semaphore_mem>>) src(%dma_wait3A_153 : memref<640x64xf32, #tpu.memory_space<vmem_shared>>) dst(%dma_wait3A_151 : memref<640x64xf32, #tpu.memory_space<hbm>>)
      tpu.yield
    }) : () -> ()
    return
  }
}

module attributes {stable_mosaic.version = 14 : i64} {
  func.func @body(%arg0: memref<10240x128xf32, #tpu.memory_space<vmem>>, %arg1: memref<128x64xf32, #tpu.memory_space<vmem>>, %arg2: memref<2x10240xf32, #tpu.memory_space<vmem>>, %arg3: memref<10240x64xf32, #tpu.memory_space<vmem>>, %arg4: memref<10240x1xf32, #tpu.memory_space<vmem>>) attributes {dimension_semantics = [], scalar_prefetch = 0 : i64, scratch_operands = 0 : i64, tpu.core_type = #tpu.core_type<tc>} {
    %get3A = arith.constant 0 : index
    %get3A_0 = arith.constant 0 : index
    %get3A_1 = vector.load %arg2[%get3A, %get3A_0] : memref<2x10240xf32, #tpu.memory_space<vmem>>, vector<1x10240xf32>
    %get3A_2 = vector.shape_cast %get3A_1 : vector<1x10240xf32> to vector<10240xf32>
    %get3A_3 = arith.constant 1 : index
    %get3A_4 = arith.constant 0 : index
    %get3A_5 = vector.load %arg2[%get3A_3, %get3A_4] : memref<2x10240xf32, #tpu.memory_space<vmem>>, vector<1x10240xf32>
    %get3A_6 = vector.shape_cast %get3A_5 : vector<1x10240xf32> to vector<10240xf32>
    %add3A = arith.addf %get3A_2, %get3A_6 : vector<10240xf32>
    %add3A_7 = arith.constant 1.000000e+00 : f32
    %add3A_8 = vector.broadcast %add3A_7 : f32 to vector<10240xf32>
    %add3A_9 = arith.addf %add3A, %add3A_8 : vector<10240xf32>
    %rsqrt3A = math.rsqrt %add3A_9 : vector<10240xf32>
    %broadcast_in_dim3A = vector.shape_cast %rsqrt3A : vector<10240xf32> to vector<10240x1xf32>
    %swap3A = arith.constant 0 : index
    %swap3A_10 = arith.constant 0 : index
    %swap3A_11 = vector.load %arg4[%swap3A, %swap3A_10] : memref<10240x1xf32, #tpu.memory_space<vmem>>, vector<10240x1xf32>
    tpu.vector_store %arg4[%swap3A, %swap3A_10], %broadcast_in_dim3A {strides = array<i32>} : memref<10240x1xf32, #tpu.memory_space<vmem>>, vector<10240x1xf32>,
    %get3A_12 = arith.constant 0 : index
    %get3A_13 = arith.constant 0 : index
    %get3A_14 = vector.load %arg0[%get3A_12, %get3A_13] : memref<10240x128xf32, #tpu.memory_space<vmem>>, vector<10240x128xf32>
    %get3A_15 = arith.constant 0 : index
    %get3A_16 = arith.constant 0 : index
    %get3A_17 = vector.load %arg1[%get3A_15, %get3A_16] : memref<128x64xf32, #tpu.memory_space<vmem>>, vector<128x64xf32>
    %dot_general3A = arith.constant dense<0.000000e+00> : vector<10240x64xf32>
    %dot_general3A_18 = tpu.matmul %get3A_14, %get3A_17, %dot_general3A {dimension_numbers = #tpu.dot_dimension_numbers<[1], [0], [0], [1], [0, 0, 1, 1], [], []>, transpose_lhs_hint = false} : vector<10240x128xf32>, vector<128x64xf32>, vector<10240x64xf32> -> vector<10240x64xf32>
    %mul3A = vector.broadcast %broadcast_in_dim3A : vector<10240x1xf32> to vector<10240x64xf32>
    %mul3A_19 = arith.mulf %dot_general3A_18, %mul3A : vector<10240x64xf32>
    %swap3A_20 = arith.constant 0 : index
    %swap3A_21 = arith.constant 0 : index
    %swap3A_22 = vector.load %arg3[%swap3A_20, %swap3A_21] : memref<10240x64xf32, #tpu.memory_space<vmem>>, vector<10240x64xf32>
    tpu.vector_store %arg3[%swap3A_20, %swap3A_21], %mul3A_19 {strides = array<i32>} : memref<10240x64xf32, #tpu.memory_space<vmem>>, vector<10240x64xf32>,
    return
  }
}

module attributes {stable_mosaic.version = 14 : i64} {
  func.func @body(%arg0: memref<2x10240x64xf32, #tpu.memory_space<vmem>>, %arg1: memref<10240x64xf32, #tpu.memory_space<vmem>>, %arg2: memref<10240x1xf32, #tpu.memory_space<vmem>>, %arg3: memref<1x64xf32, #tpu.memory_space<vmem>>, %arg4: memref<64x64xf32, #tpu.memory_space<vmem>>, %arg5: memref<10240x64xf32, #tpu.memory_space<vmem>>) attributes {dimension_semantics = [], scalar_prefetch = 0 : i64, scratch_operands = 0 : i64, tpu.core_type = #tpu.core_type<tc>} {
    %get3A = arith.constant 0 : index
    %get3A_0 = arith.constant 0 : index
    %get3A_1 = vector.load %arg2[%get3A, %get3A_0] : memref<10240x1xf32, #tpu.memory_space<vmem>>, vector<10240x1xf32>
    %get3A_2 = arith.constant 0 : index
    %get3A_3 = arith.constant 0 : index
    %get3A_4 = arith.constant 0 : index
    %get3A_5 = vector.load %arg0[%get3A_2, %get3A_3, %get3A_4] : memref<2x10240x64xf32, #tpu.memory_space<vmem>>, vector<1x10240x64xf32>
    %get3A_6 = vector.shape_cast %get3A_5 : vector<1x10240x64xf32> to vector<10240x64xf32>
    %get3A_7 = arith.constant 1 : index
    %get3A_8 = arith.constant 0 : index
    %get3A_9 = arith.constant 0 : index
    %get3A_10 = vector.load %arg0[%get3A_7, %get3A_8, %get3A_9] : memref<2x10240x64xf32, #tpu.memory_space<vmem>>, vector<1x10240x64xf32>
    %get3A_11 = vector.shape_cast %get3A_10 : vector<1x10240x64xf32> to vector<10240x64xf32>
    %add3A = arith.addf %get3A_6, %get3A_11 : vector<10240x64xf32>
    %get3A_12 = arith.constant 0 : index
    %get3A_13 = arith.constant 0 : index
    %get3A_14 = vector.load %arg1[%get3A_12, %get3A_13] : memref<10240x64xf32, #tpu.memory_space<vmem>>, vector<10240x64xf32>
    %add3A_15 = arith.addf %add3A, %get3A_14 : vector<10240x64xf32>
    %mul3A = vector.broadcast %get3A_1 : vector<10240x1xf32> to vector<10240x64xf32>
    %mul3A_16 = arith.mulf %mul3A, %add3A_15 : vector<10240x64xf32>
    %get3A_17 = arith.constant 0 : index
    %get3A_18 = arith.constant 0 : index
    %get3A_19 = vector.load %arg3[%get3A_17, %get3A_18] : memref<1x64xf32, #tpu.memory_space<vmem>>, vector<1x64xf32>
    %add3A_20 = vector.broadcast %get3A_19 : vector<1x64xf32> to vector<10240x64xf32>
    %add3A_21 = arith.addf %mul3A_16, %add3A_20 : vector<10240x64xf32>
    %max3A = arith.constant 0.000000e+00 : f32
    %max3A_22 = vector.broadcast %max3A : f32 to vector<10240x64xf32>
    %max3A_23 = arith.maximumf %add3A_21, %max3A_22 : vector<10240x64xf32>
    %get3A_24 = arith.constant 0 : index
    %get3A_25 = arith.constant 0 : index
    %get3A_26 = vector.load %arg4[%get3A_24, %get3A_25] : memref<64x64xf32, #tpu.memory_space<vmem>>, vector<64x64xf32>
    %dot_general3A = arith.constant dense<0.000000e+00> : vector<10240x64xf32>
    %dot_general3A_27 = tpu.matmul %max3A_23, %get3A_26, %dot_general3A {dimension_numbers = #tpu.dot_dimension_numbers<[1], [0], [0], [1], [0, 0, 1, 1], [], []>, transpose_lhs_hint = false} : vector<10240x64xf32>, vector<64x64xf32>, vector<10240x64xf32> -> vector<10240x64xf32>
    %mul3A_28 = vector.broadcast %get3A_1 : vector<10240x1xf32> to vector<10240x64xf32>
    %mul3A_29 = arith.mulf %dot_general3A_27, %mul3A_28 : vector<10240x64xf32>
    %swap3A = arith.constant 0 : index
    %swap3A_30 = arith.constant 0 : index
    %swap3A_31 = vector.load %arg5[%swap3A, %swap3A_30] : memref<10240x64xf32, #tpu.memory_space<vmem>>, vector<10240x64xf32>
    tpu.vector_store %arg5[%swap3A, %swap3A_30], %mul3A_29 {strides = array<i32>} : memref<10240x64xf32, #tpu.memory_space<vmem>>, vector<10240x64xf32>,
    return
  }
}

module attributes {stable_mosaic.version = 14 : i64} {
  func.func @body(%arg0: memref<2x10240x64xf32, #tpu.memory_space<vmem>>, %arg1: memref<10240x64xf32, #tpu.memory_space<vmem>>, %arg2: memref<10240x1xf32, #tpu.memory_space<vmem>>, %arg3: memref<1x64xf32, #tpu.memory_space<vmem>>, %arg4: memref<64x32xf32, #tpu.memory_space<vmem>>, %arg5: memref<1x32xf32, #tpu.memory_space<vmem>>, %arg6: memref<32x2xf32, #tpu.memory_space<vmem>>, %arg7: memref<1x2xf32, #tpu.memory_space<vmem>>, %arg8: memref<1x2xf32, #tpu.memory_space<vmem>>) attributes {dimension_semantics = [], scalar_prefetch = 0 : i64, scratch_operands = 0 : i64, tpu.core_type = #tpu.core_type<tc>} {
    %get3A = arith.constant 0 : index
    %get3A_0 = arith.constant 0 : index
    %get3A_1 = vector.load %arg2[%get3A, %get3A_0] : memref<10240x1xf32, #tpu.memory_space<vmem>>, vector<10240x1xf32>
    %get3A_2 = arith.constant 0 : index
    %get3A_3 = arith.constant 0 : index
    %get3A_4 = arith.constant 0 : index
    %get3A_5 = vector.load %arg0[%get3A_2, %get3A_3, %get3A_4] : memref<2x10240x64xf32, #tpu.memory_space<vmem>>, vector<1x10240x64xf32>
    %get3A_6 = vector.shape_cast %get3A_5 : vector<1x10240x64xf32> to vector<10240x64xf32>
    %get3A_7 = arith.constant 1 : index
    %get3A_8 = arith.constant 0 : index
    %get3A_9 = arith.constant 0 : index
    %get3A_10 = vector.load %arg0[%get3A_7, %get3A_8, %get3A_9] : memref<2x10240x64xf32, #tpu.memory_space<vmem>>, vector<1x10240x64xf32>
    %get3A_11 = vector.shape_cast %get3A_10 : vector<1x10240x64xf32> to vector<10240x64xf32>
    %add3A = arith.addf %get3A_6, %get3A_11 : vector<10240x64xf32>
    %get3A_12 = arith.constant 0 : index
    %get3A_13 = arith.constant 0 : index
    %get3A_14 = vector.load %arg1[%get3A_12, %get3A_13] : memref<10240x64xf32, #tpu.memory_space<vmem>>, vector<10240x64xf32>
    %add3A_15 = arith.addf %add3A, %get3A_14 : vector<10240x64xf32>
    %mul3A = vector.broadcast %get3A_1 : vector<10240x1xf32> to vector<10240x64xf32>
    %mul3A_16 = arith.mulf %mul3A, %add3A_15 : vector<10240x64xf32>
    %get3A_17 = arith.constant 0 : index
    %get3A_18 = arith.constant 0 : index
    %get3A_19 = vector.load %arg3[%get3A_17, %get3A_18] : memref<1x64xf32, #tpu.memory_space<vmem>>, vector<1x64xf32>
    %add3A_20 = vector.broadcast %get3A_19 : vector<1x64xf32> to vector<10240x64xf32>
    %add3A_21 = arith.addf %mul3A_16, %add3A_20 : vector<10240x64xf32>
    %max3A = arith.constant 0.000000e+00 : f32
    %max3A_22 = vector.broadcast %max3A : f32 to vector<10240x64xf32>
    %max3A_23 = arith.maximumf %add3A_21, %max3A_22 : vector<10240x64xf32>
    %iota3A = tpu.iota {dimensions = array<i32: 0>} : vector<10240x1xi32>
    %lt3A = arith.constant 10000 : i32
    %lt3A_24 = vector.broadcast %lt3A : i32 to vector<10240x1xi32>
    %lt3A_25 = arith.cmpi slt, %iota3A, %lt3A_24 : vector<10240x1xi32>
    %jit3A = arith.constant 0.000000e+00 : f32
    %broadcast_in_dim3A = vector.shape_cast %lt3A_25 : vector<10240x1xi1> to vector<10240x1xi1>
    %broadcast_in_dim3A_26 = vector.broadcast %broadcast_in_dim3A : vector<10240x1xi1> to vector<10240x64xi1>
    %broadcast_in_dim3A_27 = vector.broadcast %jit3A : f32 to vector<10240x64xf32>
    %select_n3A = arith.select %broadcast_in_dim3A_26, %max3A_23, %broadcast_in_dim3A_27 : vector<10240x64xi1>, vector<10240x64xf32>
    %reduce_sum3A = arith.constant dense<0.000000e+00> : vector<64xf32>
    %reduce_sum3A_28 = vector.multi_reduction <add>, %select_n3A, %reduce_sum3A [0] : vector<10240x64xf32> to vector<64xf32>
    %broadcast_in_dim3A_29 = vector.shape_cast %reduce_sum3A_28 : vector<64xf32> to vector<1x64xf32>
    %div3A = arith.constant 1.000000e+04 : f32
    %div3A_30 = vector.broadcast %div3A : f32 to vector<1x64xf32>
    %div3A_31 = arith.divf %broadcast_in_dim3A_29, %div3A_30 : vector<1x64xf32>
    %get3A_32 = arith.constant 0 : index
    %get3A_33 = arith.constant 0 : index
    %get3A_34 = vector.load %arg4[%get3A_32, %get3A_33] : memref<64x32xf32, #tpu.memory_space<vmem>>, vector<64x32xf32>
    %dot_general3A = arith.constant dense<0.000000e+00> : vector<1x32xf32>
    %dot_general3A_35 = tpu.matmul %div3A_31, %get3A_34, %dot_general3A {dimension_numbers = #tpu.dot_dimension_numbers<[1], [0], [0], [1], [0, 0, 1, 1], [], []>, transpose_lhs_hint = false} : vector<1x64xf32>, vector<64x32xf32>, vector<1x32xf32> -> vector<1x32xf32>
    %get3A_36 = arith.constant 0 : index
    %get3A_37 = arith.constant 0 : index
    %get3A_38 = vector.load %arg5[%get3A_36, %get3A_37] : memref<1x32xf32, #tpu.memory_space<vmem>>, vector<1x32xf32>
    %add3A_39 = arith.addf %dot_general3A_35, %get3A_38 : vector<1x32xf32>
    %max3A_40 = arith.constant 0.000000e+00 : f32
    %max3A_41 = vector.broadcast %max3A_40 : f32 to vector<1x32xf32>
    %max3A_42 = arith.maximumf %add3A_39, %max3A_41 : vector<1x32xf32>
    %get3A_43 = arith.constant 0 : index
    %get3A_44 = arith.constant 0 : index
    %get3A_45 = vector.load %arg6[%get3A_43, %get3A_44] : memref<32x2xf32, #tpu.memory_space<vmem>>, vector<32x2xf32>
    %dot_general3A_46 = arith.constant dense<0.000000e+00> : vector<1x2xf32>
    %dot_general3A_47 = tpu.matmul %max3A_42, %get3A_45, %dot_general3A_46 {dimension_numbers = #tpu.dot_dimension_numbers<[1], [0], [0], [1], [0, 0, 1, 1], [], []>, transpose_lhs_hint = false} : vector<1x32xf32>, vector<32x2xf32>, vector<1x2xf32> -> vector<1x2xf32>
    %get3A_48 = arith.constant 0 : index
    %get3A_49 = arith.constant 0 : index
    %get3A_50 = vector.load %arg7[%get3A_48, %get3A_49] : memref<1x2xf32, #tpu.memory_space<vmem>>, vector<1x2xf32>
    %add3A_51 = arith.addf %dot_general3A_47, %get3A_50 : vector<1x2xf32>
    %neg3A = arith.constant 0.000000e+00 : f32
    %neg3A_52 = vector.broadcast %neg3A : f32 to vector<1x2xf32>
    %neg3A_53 = arith.subf %neg3A_52, %add3A_51 : vector<1x2xf32>
    %exp3A = math.exp %neg3A_53 : vector<1x2xf32>
    %add3A_54 = arith.constant 1.000000e+00 : f32
    %add3A_55 = vector.broadcast %add3A_54 : f32 to vector<1x2xf32>
    %add3A_56 = arith.addf %add3A_55, %exp3A : vector<1x2xf32>
    %div3A_57 = arith.constant 3.000000e+00 : f32
    %div3A_58 = vector.broadcast %div3A_57 : f32 to vector<1x2xf32>
    %div3A_59 = arith.divf %div3A_58, %add3A_56 : vector<1x2xf32>
    %add3A_60 = arith.constant 2.000000e+00 : f32
    %add3A_61 = vector.broadcast %add3A_60 : f32 to vector<1x2xf32>
    %add3A_62 = arith.addf %add3A_61, %div3A_59 : vector<1x2xf32>
    %swap3A = arith.constant 0 : index
    %swap3A_63 = arith.constant 0 : index
    %swap3A_64 = vector.load %arg8[%swap3A, %swap3A_63] : memref<1x2xf32, #tpu.memory_space<vmem>>, vector<1x2xf32>
    tpu.vector_store %arg8[%swap3A, %swap3A_63], %add3A_62 {strides = array<i32>} : memref<1x2xf32, #tpu.memory_space<vmem>>, vector<1x2xf32>,
    return
  }
}

</mosaic_0001>

<sc_bundles>
// kernel: kernel.11.cloned.1.call-start
scs
__scs_entry_jumppad:
0x0: {  	(pc) =	sbr.rel $0x88, $3  }
0x1: {  	(tag) =	ssettag $0x0;
	lr =	simm.s32 $0x1  }
0x2: {  	[smem:$0x3F97] =	sst lr;
	_ =	strace $0xD0000000  }
0x3: {  	_ = 	snop  }
0x4: {  	_ = 	snop  }
0x5: {  	_ = 	snop  }
0x6: {  	_ = 	snop  }
0x7: {  	_ = 	snop  }
__scs_overlays_trampoline_lowered:
0x8: {  	[smem:$0x3FA6] =	sst s0  }
0x9: {  	[smem:$0x3FA7] =	sst s1  }
0xa: {  	[smem:$0x3FA8] =	sst s2  }
0xb: {  	[smem:$0x3FA9] =	sst s3  }
0xc: {  	[smem:$0x3FAA] =	sst s4  }
0xd: {  	[smem:$0x3FAB] =	sst s5  }
0xe: {  	[smem:$0x3FAC] =	sst s6  }
0xf: {  	[smem:$0x3FAD] =	sst s7  }
0x10: {  	[smem:$0x3FAE] =	sst s8  }
0x11: {  	[smem:$0x3FAF] =	sst s9;
	s0 =	simm.s32 @!p0 $0x0  }
0x12: {  	s1 =	sld [smem:$0x3F95];
	s0 =	simm.s32 @p0 $0x1  }
0x13: {  	[smem:$0x3FB0] =	sst s0;
	s0 =	simm.s32 @!p1 $0x0  }
0x14: {  	s2 =	sld [smem:$0x3F94];
	s0 =	simm.s32 @p1 $0x1  }
0x15: {  	[smem:$0x3FB1] =	sst s0;
	s0 =	simm.s32 @!p2 $0x0  }
0x16: {  	s3 =	sld [smem:$0x3FDB];
	s0 =	simm.s32 @p2 $0x1  }
0x17: {  	s4 =	simm.s32 $0x1BF5;
	[smem:$0x3FB3] =	sst s0  }
0x18: {  	s0 =	sld [smem:$0x3F96];
	_ =	swait.ge [sflag:s4], $0x0  }
0x19: {  	s7 =	sld [smem:$0x3F97]  }
0x1a: {  	s8 =	sadd.s32 $0xFFFFE003, lr  }
0x1b: {  	s9 =	sadd.s32 $0xFFFFFEF7, lr;
	s5 =	simm.s32 $0xFFFFFFFF;
	p2 =	slt.u32 s8, $0xFFFFF086  }
0x1c: {  	p1 =	slt.u32 s9, $0xF7A;
	s5 =	simm.s32 @!p2 $0x0  }
0x1d: {  	s5 =	simm.s32 @p1 $0x1;
	p0 =	seq.s32 s7, s2  }
0x1e: {  	s7 =	smul.u32 @!p0 $0xF7A, s2;
	p2 =	seq.s32 @!p0 s5, $0x0  }
0x1f: {  	s9 =	smul.u32 $0xF7A, s1;
	s8 =	simm.s32 @!p0 $0x1BF5;
	p2 =	por !p2, p0  }
0x20: {  	[sflag:s8] =	ssyncset.s32 @!p0 $0xFFFFF086;
	s6 =	sadd.s32 @!p0 s3, s7;
	s7 =	simm.s32 @!p0 $0x108  }
0x21: {  	s3 =	sadd.s32 s3, s9;
	s6 =	sadd.s32 @!p0 $0x88, s6;
	s7 =	simm.s32 @p2 $0x1082  }
0x22: {  	[simem:s7], [sflag:s8] =	dma.local @!p0 [hbm:s6], $0xF7A  }
0x23: {  	s9 =	sor.u32 $0xD0000000, s2;
	s6 =	simm.s32 $0x108;
	_ =	swait.ge @!p0 [sflag:s8], $0x0  }
0x24: {  	s3 =	sadd.s32 $0x88, s3;
	s6 =	simm.s32 @!p1 $0x1082;
	[sflag:s4] =	ssyncset.s32 $0xFFFFF086  }
0x25: {  	[simem:s6], [sflag:s4] =	dma.local [hbm:s3], $0xF7A  }
0x26: {  	[smem:$0x3F97] =	sst s1;
	(tag) =	ssettag s2;
	_ =	strace s9  }
0x27: {  	s1 =	sld [smem:$0x3FA7]  }
0x28: {  	s2 =	sld [smem:$0x3FA8]  }
0x29: {  	s4 =	sld [smem:$0x3FAA]  }
0x2a: {  	p0 =	seq.s32 s5, $0x0;
	s5 =	sld [smem:$0x3FAB]  }
0x2b: {  	s6 =	sld [smem:$0x3FAC]  }
0x2c: {  	s7 =	sld [smem:$0x3FAD]  }
0x2d: {  	s3 =	simm.s32 $0x108;
	s8 =	sld [smem:$0x3FAE]  }
0x2e: {  	s3 =	simm.s32 @!p0 $0x1082;
	s9 =	sld [smem:$0x3FAF]  }
0x2f: {  	lr =	sadd.s32 s0, s3;
	s0 =	sld [smem:$0x3FA6]  }
0x30: {  	s3 =	sld [smem:$0x3FA9]  }
0x31: {  	[smem:$0x3FB2] =	sst s10  }
0x32: {  	s10 =	sld [smem:$0x3FB0];
	_ =	sdelay $0x3  }
0x33: {  	p0 =	seq.s32 s10, $0x1;
	s10 =	sld [smem:$0x3FB2];
	_ =	sdelay $0x3  }
0x34: {  	[smem:$0x3FB2] =	sst s10  }
0x35: {  	s10 =	sld [smem:$0x3FB1];
	_ =	sdelay $0x3  }
0x36: {  	p1 =	seq.s32 s10, $0x1;
	s10 =	sld [smem:$0x3FB2];
	_ =	sdelay $0x3  }
0x37: {  	[smem:$0x3FB2] =	sst s10  }
0x38: {  	s10 =	sld [smem:$0x3FB3]  }
0x39: {  	_ = 	snop;
	(pc) =	sbr.ind lr, $3  }
0x3a: {  	_ = 	snop  }
0x3b: {  	_ = 	snop  }
0x3c: {  	p2 =	seq.s32 s10, $0x1;
	s10 =	sld [smem:$0x3FB2]  }
0x3d: {  	_ =	shalt  }
0x3e: {  	_ =	shalt  }
0x3f: {  	_ =	shalt  }
0x40: {  	_ =	shalt  }
0x41: {  	_ =	shalt  }
0x42: {  	_ =	shalt  }
0x43: {  	_ =	shalt  }
0x44: {  	_ =	shalt  }
0x45: {  	_ =	shalt  }
0x46: {  	_ =	shalt  }
0x47: {  	_ =	shalt  }
0x48: {  	_ =	shalt  }
0x49: {  	_ =	shalt  }
0x4a: {  	_ =	shalt  }
0x4b: {  	_ =	shalt  }
0x4c: {  	_ =	shalt  }
0x4d: {  	_ =	shalt  }
0x4e: {  	_ =	shalt  }
0x4f: {  	_ =	shalt  }
0x50: {  	_ =	shalt  }
0x51: {  	_ =	shalt  }
0x52: {  	_ =	shalt  }
0x53: {  	_ =	shalt  }
0x54: {  	_ =	shalt  }
0x55: {  	_ =	shalt  }
0x56: {  	_ =	shalt  }
0x57: {  	_ =	shalt  }
0x58: {  	_ =	shalt  }
0x59: {  	_ =	shalt  }
0x5a: {  	_ =	shalt  }
0x5b: {  	_ =	shalt  }
0x5c: {  	_ =	shalt  }
0x5d: {  	_ =	shalt  }
0x5e: {  	_ =	shalt  }
0x5f: {  	_ =	shalt  }
0x60: {  	_ =	shalt  }
0x61: {  	_ =	shalt  }
0x62: {  	_ =	shalt  }
0x63: {  	_ =	shalt  }
0x64: {  	_ =	shalt  }
0x65: {  	_ =	shalt  }
0x66: {  	_ =	shalt  }
0x67: {  	_ =	shalt  }
0x68: {  	_ =	shalt  }
0x69: {  	_ =	shalt  }
0x6a: {  	_ =	shalt  }
0x6b: {  	_ =	shalt  }
0x6c: {  	_ =	shalt  }
0x6d: {  	_ =	shalt  }
0x6e: {  	_ =	shalt  }
0x6f: {  	_ =	shalt  }
0x70: {  	_ =	shalt  }
0x71: {  	_ =	shalt  }
0x72: {  	_ =	shalt  }
0x73: {  	_ =	shalt  }
0x74: {  	_ =	shalt  }
0x75: {  	_ =	shalt  }
0x76: {  	_ =	shalt  }
0x77: {  	_ =	shalt  }
0x78: {  	_ =	shalt  }
0x79: {  	_ =	shalt  }
0x7a: {  	_ =	shalt  }
0x7b: {  	_ =	shalt  }
0x7c: {  	_ =	shalt  }
0x7d: {  	_ =	shalt  }
0x7e: {  	_ =	shalt  }
0x7f: {  	_ =	shalt  }
0x80: {  	_ =	shalt  }
0x81: {  	_ =	shalt  }
0x82: {  	_ =	shalt  }
0x83: {  	_ =	shalt  }
0x84: {  	_ =	shalt  }
0x85: {  	_ =	shalt  }
0x86: {  	_ =	shalt  }
0x87: {  	_ =	shalt  }
.Lfunc_end0:
.L_simem_size_0:
called_computation.1_lowered:
.L_overlay_start_0:
0x88: {  	s2 =	sld [smem:$0x3FD9]  }
0x89: {  	s3 =	sld [smem:$0x3FFE];
	_ =	sdelay $0x1  }
0x8a: {  	s1 =	srdreg.scid  }
0x8b: {  	s0 =	sand.u32 $0x1, s1  }
0x8c: {  	s16 =	sshll.u32 s0, $0xA;
	s2 =	sadd.s32 s3, s2  }
0x8d: {  	s2 =	sadd.s32 s2, s16  }
0x8e: {  	[smem:$0x3FBE] =	sst s2  }
0x8f: {  	_ = 	snop  }
0x90: {  	(tm) =	ssettm $0x1  }
0x91: {  	s17 =	sld [smem:$0x3FFB];
	_ =	sdelay $0x3  }
0x92: {  	_ =	strace s17  }
0x93: {  	s2 =	sld [smem:$0x3FFC];
	_ =	sdelay $0x3  }
0x94: {  	_ =	strace s2  }
0x95: {  	s2 =	sld [smem:$0x3FFD];
	_ =	sdelay $0x3  }
0x96: {  	_ =	strace s2  }
0x97: {  	_ =	strace $0x8FFFFFFF  }
0x98: {  	s18 =	sld [smem:$0x3FDB];
	_ =	sdelay $0x1  }
0x99: {  	s19 =	simm.s32 $_scs_section_size  }
0x9a: {  	s4 =	simm.s32 $_size__tile_overlayer_lowered;
	s5 =	simm.s32 $_tile_overlayer_lowered  }
0x9b: {  	s22 =	simm.s32 $0x1BFF;
	s21 =	sshll.u32 s5, $0x1;
	s2 =	sadd.s32 s19, s18  }
0x9c: {  	s6 =	simm.s32 $0x0;
	s20 =	sshll.u32 s4, $0x1;
	s4 =	sadd.s32 s21, s2  }
0x9d: {  	[timem:s6], [sflag:s22] =	dma.local [hbm:s4], s20  }
0x9e: {  	_ =	swait.ge [sflag:s22], s20  }
0x9f: {  	s3 =	ssub.s32 $0x0, s20;
	[sflag:s22] =	ssyncset.done $0x0  }
0xa0: {  	[sflag:s22] =	ssyncadd.s32 s3;
	_ =	sdelay $0x1  }
0xa1: {  	s23 =	simm.s32 $0x1B8B  }
0xa2: {  	_ =	swait.ge [sflag:s23], $0x1  }
0xa3: {  	[sflag:s23] =	ssyncset.done $0x0  }
0xa4: {  	s25 =	simm.s32 $0x1B8E;
	s24 =	sld [smem:$0x3FFE];
	[sflag:s23] =	ssyncadd.s32 $0xFFFFFFFF  }
0xa5: {  	s26 =	simm.s32 $execute0_lowered;
	[smem:$0x3FD2] =	sst s25  }
0xa6: {  	s4 =	sshll.u32 s26, $0x1;
	_ =	strace $0x80000049;
	[dreg:$0x1] =	wrdreg $0xFFFFFFFF  }
0xa7: {  	s28 =	simm.s32 $_size_execute0_lowered;
	s2 =	sadd.s32 s2, s4;
	[dreg:$0x0] =	wrdreg $0x0  }
0xa8: {  	s4 =	sshll.u32 s28, $0x1;
	[dreg:$0x2] =	wrdreg s2  }
0xa9: {  	[dreg:$0x3] =	wrdreg s4  }
0xaa: {  	[dreg:$0x4] =	wrdreg $0xC0  }
0xab: {  	_ =	task [dreg:s6], $0x5FFFF  }
0xac: {  	[dreg:$0x1] =	wrdreg $0xFFFFFFFF  }
0xad: {  	[dreg:$0x0] =	wrdreg $0x60  }
0xae: {  	[dreg:$0x2] =	wrdreg s24  }
0xaf: {  	[dreg:$0x3] =	wrdreg $0x150000  }
0xb0: {  	[dreg:$0x4] =	wrdreg $0x9  }
0xb1: {  	_ =	task.clear_ibuf [dreg:s6], $0x5FFFF;
	_ =	strace $0x90000049  }
0xb2: {  	s29 =	simm.s32 $0x9;
	_ =	strace $0x8000004B  }
0xb3: {  	_ =	swait.ge [sflag:s29], $0x1  }
0xb4: {  	[sflag:s29] =	ssyncadd.s32 $0xFFFFFFFF  }
0xb5: {  	_ =	strace $0x9000004B  }
0xb6: {  	_ =	sfence  }
0xb7: {  	s30 =	sld [smem:$0x0];
	_ =	sdelay $0x2  }
0xb8: {  	s31 =	sshll.u32 s1, $0xD;
	s1 =	sshrl.u32 s1, $0x2  }
0xb9: {  	s3 =	sand.u32 $0x4000, s31;
	s1 =	sadd.s32 s1, s30  }
0xba: {  	s0 =	sor.u32 s3, s0;
	s1 =	sshll.u32 s1, $0x11  }
0xbb: {  	s0 =	sor.u32 s1, s0  }
0xbc: {  	s0 =	sadd.s32 $0x8F2B, s0  }
0xbd: {  	[sflag:s0] =	ssyncadd.remote.s32 $0x1  }
0xbe: {  	_ =	sfence.sel $0xFFFF  }
0xbf: {  	[dreg:$0x0] =	wrdreg $0xFFFFFFFF;
	(pc) =	sbr.abs _section_cstart, $3  }
0xc0: {  	[dreg:$0x1] =	wrdreg $0xFFFFFFFF  }
0xc1: {  	_ =	task.clear_ibuf [dreg:s6], $0x2FFFF;
	_ =	strace $0x9FFFFFFF  }
0xc2: {  	(tm) =	ssettm $0x7FFFFFFF  }
0xc3: {  	_ =	shalt  }
tec
execute0_lowered:
.L_overlay_start_1:
0x0: {  	(tag) =	ssettag $0x1  }
0x1: {  	s0 =	srdreg.scid  }
0x2: {  	s9 =	stileid.u32;
	s6 =	rddreg [dreg:$0x0]  }
0x3: {  	s2 =	rddreg [dreg:$0x1];
	s3 =	simm.s32 $0x0;
	s15 =	simm.s32 $0x9  }
0x4: {  	s16 =	simm.s32 $0x2800;
	s17 =	simm.s32 $0x5000;
	s18 =	simm.s32 $0x100  }
0x5: {  	s19 =	simm.s32 $0x9000;
	s20 =	simm.s32 $0x1;
	s22 =	simm.s32 $0xD000  }
0x6: {  	s23 =	simm.s32 $0x2;
	s28 =	simm.s32 $0x3;
	s29 =	simm.s32 $0x5  }
0x7: {  	s30 =	simm.s32 $0x4;
	s31 =	simm.s32 $0x6;
	s0 =	sand.u32 $0x1, s0  }
0x8: {  	s8 =	smul.u32 $0xA000, s9;
	[smem:$0x7FF] =	sst s3;
	s4 =	sadd.s32 $0x16000, s6  }
0x9: {  	s24 =	sadd.s32 $0x2A000, s6;
	s1 =	sshll.u32 s0, $0x4;
	s5 =	smul.u32 $0xA0000, s0  }
0xa: {  	_ =	strace $0x8000004A;
	s0 =	ssub.s32 $0x2, s0;
	[dreg:$0x3] =	wrdreg s24  }
0xb: {  	s1 =	sor.u32 s9, s1;
	s9 =	smul.u32 $0x28000, s9;
	s25 =	sshrl.u32 s0, $0x1  }
0xc: {  	s1 =	smul.u32 $0x500, s1;
	s5 =	sadd.s32 s8, s5;
	s0 =	ssub.s32 s0, s25  }
0xd: {  	s8 =	sadd.s32 s8, s2;
	s25 =	simm.s32 $0x0;
	s7 =	sshrl.u32 s5, $0x3  }
0xe: {  	s9 =	sshrl.u32 s9, $0x2;
	s14 =	smax.u32 s0, $0x1;
	s0 =	simm.s32 $0x8  }
0xf: {  	s1 =	sadd.s32 s1, s6;
	s13 =	sadd.s32 s7, s6;
	s26 =	sadd.s32 s9, s2  }
0x10: {  	s6 =	sadd.s32 $0x2000, s1;
	s7 =	sadd.s32 $0xC000, s1;
	s9 =	sadd.s32 $0x2000, s26  }
0x11: {  	s10 =	sadd.s32 $0x4000, s26;
	s11 =	sadd.s32 $0x6000, s26;
	s12 =	sadd.s32 $0x8000, s26  }
0x12: {  	s13 =	sadd.s32 $0x2A400, s13;
	s26 =	simm.s32 $0x11000;
	s1 =	simm.s32 $0x7  }
.LBB2_1:
0x13: {  	[tilespmem:s3], [sflag:$0x9] =	stream.linear.gather [hbm4b:s6+s3], $0x2800, $0x38;
	[tilespmem:$0x1F000] =	vst v63  }
0x14: {  	_ =	swait.ge [sflag:s15], $0x2800  }
0x15: {  	[sflag:s15] =	ssyncset.done $0x0  }
0x16: {  	[sflag:s15] =	ssyncadd.s32 $0xFFFFD800  }
0x17: {  	[tilespmem:s16], [sflag:$0x9] =	stream.linear.gather [hbm4b:s7+s3], $0x2800, $0x38;
	[tilespmem:$0x1F000] =	vst v63  }
0x18: {  	_ =	swait.ge [sflag:s15], $0x2800  }
0x19: {  	[sflag:s15] =	ssyncset.done $0x0  }
0x1a: {  	s5 =	rddreg [dreg:$0x3];
	[sflag:s15] =	ssyncadd.s32 $0xFFFFD800  }
0x1b: {  	[tilespmem:s17], [sflag:$0x9] =	stream.linear.gather [hbm4b:s5+s3], $0x2000, $0x38;
	[tilespmem:$0x1F000] =	vst v63  }
0x1c: {  	_ =	swait.ge [sflag:s15], $0x2000  }
0x1d: {  	[sflag:s15] =	ssyncset.done $0x0  }
0x1e: {  	[sflag:s15] =	ssyncadd.s32 $0xFFFFE000  }
0x1f: {  	[spmem:s8] =	stream.linear.scatter [tilespmem:s17], [sflag:$0x9], $0x2000, $0x38;
	[tilespmem:$0x1F000] =	vst v63  }
0x20: {  	_ =	swait.ge [sflag:s15], $0x2000  }
0x21: {  	[sflag:s15] =	ssyncset.done $0x0  }
0x22: {  	[sflag:s15] =	ssyncadd.s32 $0xFFFFE000  }
0x23: {  	[spmem:s9] =	stream.linear.scatter [tilespmem:s17], [sflag:$0x9], $0x2000, $0x38;
	[tilespmem:$0x1F000] =	vst v63  }
0x24: {  	_ =	swait.ge [sflag:s15], $0x2000  }
0x25: {  	[sflag:s15] =	ssyncset.done $0x0  }
0x26: {  	[sflag:s15] =	ssyncadd.s32 $0xFFFFE000  }
0x27: {  	[spmem:s10] =	stream.linear.scatter [tilespmem:s17], [sflag:$0x9], $0x2000, $0x38;
	[tilespmem:$0x1F000] =	vst v63  }
0x28: {  	_ =	swait.ge [sflag:s15], $0x2000  }
0x29: {  	[sflag:s15] =	ssyncset.done $0x0  }
0x2a: {  	[sflag:s15] =	ssyncadd.s32 $0xFFFFE000  }
0x2b: {  	[spmem:s11] =	stream.linear.scatter [tilespmem:s17], [sflag:$0x9], $0x2000, $0x38;
	[tilespmem:$0x1F000] =	vst v63  }
0x2c: {  	_ =	swait.ge [sflag:s15], $0x2000  }
0x2d: {  	[sflag:s15] =	ssyncset.done $0x0  }
0x2e: {  	[sflag:s15] =	ssyncadd.s32 $0xFFFFE000  }
0x2f: {  	[spmem:s12] =	stream.linear.scatter [tilespmem:s17], [sflag:$0x9], $0x2000, $0x38;
	[tilespmem:$0x1F000] =	vst v63  }
0x30: {  	_ =	swait.ge [sflag:s15], $0x2000  }
0x31: {  	[sflag:s15] =	ssyncset.done $0x0  }
0x32: {  	[sflag:s15] =	ssyncadd.s32 $0xFFFFE000  }
0x33: {  	[bflag:$0x0] =	sbarrier.arrive $0xFFFF  }
0x34: {  	[tilespmem:s17], [sflag:$0x1] =	stream.indirect.gather [hbm4b:s4+s18], $0x40, s3, s18, $0xb8;
	[tilespmem:$0x1F000] =	vst v63  }
0x35: {  	_ = 	snop  }
0x36: {  	[tilespmem:s19], [sflag:$0x2] =	stream.indirect.gather [hbm4b:s4+s18], $0x40, s18, s18, $0xb8;
	[tilespmem:$0x1F000] =	vst v63  }
0x37: {  	_ =	swait.ge [sflag:s20], $0x4000  }
0x38: {  	[sflag:s20] =	ssyncset.done $0x0  }
0x39: {  	[sflag:s20] =	ssyncadd.s32 $0xFFFFC000  }
0x3a: {  	[spmem:s2] =	stream.indirect.scatter.add.f32 [tilespmem:s17], [sflag:$0x5], $0x40, s16, s18, $0xb8;
	[tilespmem:$0x1F000] =	vst v63  }
0x3b: {  	s24 =	simm.s32 $0x200  }
0x3c: {  	[tilespmem:s22], [sflag:$0x3] =	stream.indirect.gather [hbm4b:s4+s18], $0x40, s24, s18, $0xb8;
	[tilespmem:$0x1F000] =	vst v63  }
0x3d: {  	_ =	swait.ge [sflag:s23], $0x4000  }
0x3e: {  	[sflag:s23] =	ssyncset.done $0x0  }
0x3f: {  	s21 =	simm.s32 $0x2900;
	[sflag:s23] =	ssyncadd.s32 $0xFFFFC000  }
0x40: {  	[spmem:s2] =	stream.indirect.scatter.add.f32 [tilespmem:s19], [sflag:$0x6], $0x40, s21, s18, $0xb8;
	[tilespmem:$0x1F000] =	vst v63  }
0x41: {  	s24 =	simm.s32 $0x300  }
0x42: {  	[tilespmem:s26], [sflag:$0x4] =	stream.indirect.gather [hbm4b:s4+s18], $0x40, s24, s18, $0xb8;
	[tilespmem:$0x1F000] =	vst v63  }
0x43: {  	_ =	swait.ge [sflag:s28], $0x4000  }
0x44: {  	[sflag:s28] =	ssyncset.done $0x0  }
0x45: {  	s21 =	simm.s32 $0x2A00;
	[sflag:s28] =	ssyncadd.s32 $0xFFFFC000  }
0x46: {  	[spmem:s2] =	stream.indirect.scatter.add.f32 [tilespmem:s22], [sflag:$0x7], $0x40, s21, s18, $0xb8;
	[tilespmem:$0x1F000] =	vst v63  }
0x47: {  	_ =	swait.ge [sflag:s29], $0x4000  }
0x48: {  	[sflag:s29] =	ssyncset.done $0x0  }
0x49: {  	s5 =	simm.s32 $0x400;
	[sflag:s29] =	ssyncadd.s32 $0xFFFFC000  }
0x4a: {  	[tilespmem:s17], [sflag:$0x1] =	stream.indirect.gather [hbm4b:s4+s18], $0x40, s5, s18, $0xb8;
	[tilespmem:$0x1F000] =	vst v63  }
0x4b: {  	_ =	swait.ge [sflag:s30], $0x4000  }
0x4c: {  	[sflag:s30] =	ssyncset.done $0x0  }
0x4d: {  	s24 =	simm.s32 $0x2B00;
	[sflag:s30] =	ssyncadd.s32 $0xFFFFC000  }
0x4e: {  	[spmem:s2] =	stream.indirect.scatter.add.f32 [tilespmem:s26], [sflag:$0x8], $0x40, s24, s18, $0xb8;
	[tilespmem:$0x1F000] =	vst v63  }
0x4f: {  	_ =	swait.ge [sflag:s31], $0x4000  }
0x50: {  	[sflag:s31] =	ssyncset.done $0x0  }
0x51: {  	s5 =	simm.s32 $0x500;
	[sflag:s31] =	ssyncadd.s32 $0xFFFFC000  }
0x52: {  	[tilespmem:s19], [sflag:$0x2] =	stream.indirect.gather [hbm4b:s4+s18], $0x40, s5, s18, $0xb8;
	[tilespmem:$0x1F000] =	vst v63  }
0x53: {  	_ =	swait.ge [sflag:s20], $0x4000  }
0x54: {  	[sflag:s20] =	ssyncset.done $0x0  }
0x55: {  	s24 =	simm.s32 $0x2C00;
	[sflag:s20] =	ssyncadd.s32 $0xFFFFC000  }
0x56: {  	[spmem:s2] =	stream.indirect.scatter.add.f32 [tilespmem:s17], [sflag:$0x5], $0x40, s24, s18, $0xb8;
	[tilespmem:$0x1F000] =	vst v63  }
0x57: {  	_ =	swait.ge [sflag:s1], $0x4000  }
0x58: {  	[sflag:s1] =	ssyncset.done $0x0  }
0x59: {  	s5 =	simm.s32 $0x600;
	[sflag:s1] =	ssyncadd.s32 $0xFFFFC000  }
0x5a: {  	[tilespmem:s22], [sflag:$0x3] =	stream.indirect.gather [hbm4b:s4+s18], $0x40, s5, s18, $0xb8;
	[tilespmem:$0x1F000] =	vst v63  }
0x5b: {  	_ =	swait.ge [sflag:s23], $0x4000  }
0x5c: {  	[sflag:s23] =	ssyncset.done $0x0  }
0x5d: {  	s24 =	simm.s32 $0x2D00;
	[sflag:s23] =	ssyncadd.s32 $0xFFFFC000  }
0x5e: {  	[spmem:s2] =	stream.indirect.scatter.add.f32 [tilespmem:s19], [sflag:$0x6], $0x40, s24, s18, $0xb8;
	[tilespmem:$0x1F000] =	vst v63  }
0x5f: {  	_ =	swait.ge [sflag:s0], $0x4000  }
0x60: {  	[sflag:s0] =	ssyncset.done $0x0  }
0x61: {  	s21 =	simm.s32 $0x1000;
	s24 =	simm.s32 $0x700;
	[sflag:s0] =	ssyncadd.s32 $0xFFFFC000  }
.LBB2_2:
0x62: {  	[tilespmem:s26], [sflag:$0x4] =	stream.indirect.gather [hbm4b:s4+s18], $0x40, s24, s18, $0xb8;
	[tilespmem:$0x1F000] =	vst v63  }
0x63: {  	s24 =	smov.u32 s21  }
0x64: {  	p0 =	sne.s32 s21, $0x8000;
	s21 =	sadd.s32 $0x1000, s21;
	_ =	swait.ge [sflag:s28], $0x4000  }
0x65: {  	s24 =	sshra.s32 s24, $0x2;
	[sflag:s28] =	ssyncset.done $0x0  }
0x66: {  	s5 =	sadd.s32 $0x2A00, s24;
	[sflag:s28] =	ssyncadd.s32 $0xFFFFC000  }
0x67: {  	[spmem:s2] =	stream.indirect.scatter.add.f32 [tilespmem:s22], [sflag:$0x7], $0x40, s5, s18, $0xb8;
	[tilespmem:$0x1F000] =	vst v63  }
0x68: {  	_ =	swait.ge [sflag:s29], $0x4000  }
0x69: {  	[sflag:s29] =	ssyncset.done $0x0  }
0x6a: {  	s5 =	sadd.s32 $0x400, s24;
	[sflag:s29] =	ssyncadd.s32 $0xFFFFC000  }
0x6b: {  	[tilespmem:s17], [sflag:$0x1] =	stream.indirect.gather [hbm4b:s4+s18], $0x40, s5, s18, $0xb8;
	[tilespmem:$0x1F000] =	vst v63  }
0x6c: {  	_ =	swait.ge [sflag:s30], $0x4000  }
0x6d: {  	[sflag:s30] =	ssyncset.done $0x0  }
0x6e: {  	s5 =	sadd.s32 $0x2B00, s24;
	[sflag:s30] =	ssyncadd.s32 $0xFFFFC000  }
0x6f: {  	[spmem:s2] =	stream.indirect.scatter.add.f32 [tilespmem:s26], [sflag:$0x8], $0x40, s5, s18, $0xb8;
	[tilespmem:$0x1F000] =	vst v63  }
0x70: {  	_ =	swait.ge [sflag:s31], $0x4000  }
0x71: {  	[sflag:s31] =	ssyncset.done $0x0  }
0x72: {  	s5 =	sadd.s32 $0x500, s24;
	[sflag:s31] =	ssyncadd.s32 $0xFFFFC000  }
0x73: {  	[tilespmem:s19], [sflag:$0x2] =	stream.indirect.gather [hbm4b:s4+s18], $0x40, s5, s18, $0xb8;
	[tilespmem:$0x1F000] =	vst v63  }
0x74: {  	_ =	swait.ge [sflag:s20], $0x4000  }
0x75: {  	[sflag:s20] =	ssyncset.done $0x0  }
0x76: {  	s5 =	sadd.s32 $0x2C00, s24;
	[sflag:s20] =	ssyncadd.s32 $0xFFFFC000  }
0x77: {  	[spmem:s2] =	stream.indirect.scatter.add.f32 [tilespmem:s17], [sflag:$0x5], $0x40, s5, s18, $0xb8;
	[tilespmem:$0x1F000] =	vst v63  }
0x78: {  	_ =	swait.ge [sflag:s1], $0x4000  }
0x79: {  	[sflag:s1] =	ssyncset.done $0x0  }
0x7a: {  	s5 =	sadd.s32 $0x600, s24;
	[sflag:s1] =	ssyncadd.s32 $0xFFFFC000  }
0x7b: {  	[tilespmem:s22], [sflag:$0x3] =	stream.indirect.gather [hbm4b:s4+s18], $0x40, s5, s18, $0xb8;
	[tilespmem:$0x1F000] =	vst v63  }
0x7c: {  	_ =	swait.ge [sflag:s23], $0x4000  }
0x7d: {  	[sflag:s23] =	ssyncset.done $0x0  }
.Ltmp0:
0x7e: {  	s5 =	sadd.s32 $0x2D00, s24;
	[sflag:s23] =	ssyncadd.s32 $0xFFFFC000;
	(pc) =	sbr.rel @p0 .LBB2_2-.Ltmp0, $4  }
0x7f: {  	[spmem:s2] =	stream.indirect.scatter.add.f32 [tilespmem:s19], [sflag:$0x6], $0x40, s5, s18, $0xb8;
	[tilespmem:$0x1F000] =	vst v63  }
0x80: {  	_ =	swait.ge [sflag:s0], $0x4000  }
0x81: {  	[sflag:s0] =	ssyncset.done $0x0  }
0x82: {  	s24 =	sadd.s32 $0x700, s24;
	[sflag:s0] =	ssyncadd.s32 $0xFFFFC000  }
0x83: {  	[tilespmem:s26], [sflag:$0x4] =	stream.indirect.gather [hbm4b:s4+s18], $0x40, s24, s18, $0xb8;
	[tilespmem:$0x1F000] =	vst v63  }
0x84: {  	_ =	swait.ge [sflag:s28], $0x4000  }
0x85: {  	[sflag:s28] =	ssyncset.done $0x0  }
0x86: {  	s5 =	simm.s32 $0x4E00;
	[sflag:s28] =	ssyncadd.s32 $0xFFFFC000  }
0x87: {  	[spmem:s2] =	stream.indirect.scatter.add.f32 [tilespmem:s22], [sflag:$0x7], $0x40, s5, s18, $0xb8;
	[tilespmem:$0x1F000] =	vst v63  }
0x88: {  	_ =	swait.ge [sflag:s30], $0x4000  }
0x89: {  	[sflag:s30] =	ssyncset.done $0x0  }
0x8a: {  	s21 =	simm.s32 $0x4F00;
	[sflag:s30] =	ssyncadd.s32 $0xFFFFC000  }
0x8b: {  	[spmem:s2] =	stream.indirect.scatter.add.f32 [tilespmem:s26], [sflag:$0x8], $0x40, s21, s18, $0xb8;
	[tilespmem:$0x1F000] =	vst v63  }
0x8c: {  	_ =	swait.ge [sflag:s29], $0x4000  }
0x8d: {  	[sflag:s29] =	ssyncset.done $0x0  }
0x8e: {  	[sflag:s29] =	ssyncadd.s32 $0xFFFFC000  }
0x8f: {  	_ =	swait.ge [sflag:s31], $0x4000  }
0x90: {  	[sflag:s31] =	ssyncset.done $0x0  }
0x91: {  	[sflag:s31] =	ssyncadd.s32 $0xFFFFC000  }
0x92: {  	_ =	swait.ge [sflag:s1], $0x4000  }
0x93: {  	[sflag:s1] =	ssyncset.done $0x0  }
0x94: {  	[sflag:s1] =	ssyncadd.s32 $0xFFFFC000  }
0x95: {  	s24 =	stileid.u32;
	_ =	swait.ge [sflag:s0], $0x4000  }
0x96: {  	s25 =	sadd.s32 $0x1, s25;
	s5 =	sshll.u32 s24, $0x6;
	[sflag:s0] =	ssyncset.done $0x0  }
0x97: {  	p0 =	sne.s32 s25, s14;
	s5 =	sor.u32 $0x1C09, s5;
	[sflag:s0] =	ssyncadd.s32 $0xFFFFC000  }
.Ltmp1:
0x98: {  	s21 =	sshrl.u32 s8, $0x3;
	[bflag:$0x0] =	sbarrier.arrive $0xFFFF;
	(pc) =	sbr.rel @p0 .LBB2_1-.Ltmp1, $4  }
0x99: {  	[hbm:s13], [sflag:s5] =	dma.local [spmem:s21], $0x1400  }
0x9a: {  	_ =	swait.ge [sflag:s15], $0x1400  }
0x9b: {  	[sflag:s15] =	ssyncset.done $0x0  }
0x9c: {  	[sflag:s15] =	ssyncadd.s32 $0xFFFFEC00  }
0x9d: {  	_ =	sfence.sel $0x180000  }
0x9e: {  	[bflag:$0x0] =	sbarrier.arrive $0xFFFF  }
0x9f: {  	_ =	strace $0x9000004A  }
0xa0: {  	s0 =	stileid.u32;
	[bflag:$0x2] =	sbarrier.arrive $0xFFFF  }
0xa1: {  	p0 =	sne.s32 s0, $0x0;
	s0 =	rddreg [dreg:$0x2]  }
0xa2: {  	s0 =	sadd.s32 @!p0 $0x100000, s0  }
0xa3: {  	[sflag:s0] =	ssyncadd.tile.s32 @!p0 $0x1;
	_ =	shalt  }
.Lfunc_end2:
_tile_overlayer_lowered:
.L_overlay_start_2:
0xa4: {  	(tag) =	ssettag $0x2  }
0xa5: {  	s0 =	rddreg [dreg:$0x0];
	s2 =	stileid.u32  }
0xa6: {  	s1 =	rddreg [dreg:$0x1];
	p0 =	sne.s32 s2, $0x0  }
0xa7: {  	s3 =	rddreg [dreg:$0x2];
	[bflag:$0x3] =	sbarrier.arrive $0xFFFF;
	s2 =	simm.s32 @!p0 $0x1C09  }
0xa8: {  	[timem:s3], [sflag:s2] =	dma.local @!p0 [hbm:s0], s1  }
0xa9: {  	s0 =	simm.s32 @!p0 $0x9  }
0xaa: {  	_ =	swait.ge @!p0 [sflag:s0], s1  }
0xab: {  	s1 =	ssub.s32 @!p0 $0x0, s1;
	[sflag:s0] =	ssyncset.done @!p0 $0x0  }
0xac: {  	[sflag:s0] =	ssyncadd.s32 @!p0 s1  }
0xad: {  	[bflag:$0x3] =	sbarrier.arrive $0xFFFF  }
0xae: {  	_ =	shalt  }

// kernel: kernel.14.cloned.1.call-start
scs
__scs_entry_jumppad:
0x0: {  	(pc) =	sbr.rel $0x88, $3  }
0x1: {  	(tag) =	ssettag $0x0;
	lr =	simm.s32 $0x1  }
0x2: {  	[smem:$0x3F97] =	sst lr;
	_ =	strace $0xD0000000  }
0x3: {  	_ = 	snop  }
0x4: {  	_ = 	snop  }
0x5: {  	_ = 	snop  }
0x6: {  	_ = 	snop  }
0x7: {  	_ = 	snop  }
__scs_overlays_trampoline_lowered:
0x8: {  	[smem:$0x3FA6] =	sst s0  }
0x9: {  	[smem:$0x3FA7] =	sst s1  }
0xa: {  	[smem:$0x3FA8] =	sst s2  }
0xb: {  	[smem:$0x3FA9] =	sst s3  }
0xc: {  	[smem:$0x3FAA] =	sst s4  }
0xd: {  	[smem:$0x3FAB] =	sst s5  }
0xe: {  	[smem:$0x3FAC] =	sst s6  }
0xf: {  	[smem:$0x3FAD] =	sst s7  }
0x10: {  	[smem:$0x3FAE] =	sst s8  }
0x11: {  	[smem:$0x3FAF] =	sst s9;
	s0 =	simm.s32 @!p0 $0x0  }
0x12: {  	s1 =	sld [smem:$0x3F95];
	s0 =	simm.s32 @p0 $0x1  }
0x13: {  	[smem:$0x3FB0] =	sst s0;
	s0 =	simm.s32 @!p1 $0x0  }
0x14: {  	s2 =	sld [smem:$0x3F94];
	s0 =	simm.s32 @p1 $0x1  }
0x15: {  	[smem:$0x3FB1] =	sst s0;
	s0 =	simm.s32 @!p2 $0x0  }
0x16: {  	s3 =	sld [smem:$0x3FDB];
	s0 =	simm.s32 @p2 $0x1  }
0x17: {  	s4 =	simm.s32 $0x1BF5;
	[smem:$0x3FB3] =	sst s0  }
0x18: {  	s0 =	sld [smem:$0x3F96];
	_ =	swait.ge [sflag:s4], $0x0  }
0x19: {  	s7 =	sld [smem:$0x3F97]  }
0x1a: {  	s8 =	sadd.s32 $0xFFFFE003, lr  }
0x1b: {  	s9 =	sadd.s32 $0xFFFFFEF7, lr;
	s5 =	simm.s32 $0xFFFFFFFF;
	p2 =	slt.u32 s8, $0xFFFFF086  }
0x1c: {  	p1 =	slt.u32 s9, $0xF7A;
	s5 =	simm.s32 @!p2 $0x0  }
0x1d: {  	s5 =	simm.s32 @p1 $0x1;
	p0 =	seq.s32 s7, s2  }
0x1e: {  	s7 =	smul.u32 @!p0 $0xF7A, s2;
	p2 =	seq.s32 @!p0 s5, $0x0  }
0x1f: {  	s9 =	smul.u32 $0xF7A, s1;
	s8 =	simm.s32 @!p0 $0x1BF5;
	p2 =	por !p2, p0  }
0x20: {  	[sflag:s8] =	ssyncset.s32 @!p0 $0xFFFFF086;
	s6 =	sadd.s32 @!p0 s3, s7;
	s7 =	simm.s32 @!p0 $0x108  }
0x21: {  	s3 =	sadd.s32 s3, s9;
	s6 =	sadd.s32 @!p0 $0x88, s6;
	s7 =	simm.s32 @p2 $0x1082  }
0x22: {  	[simem:s7], [sflag:s8] =	dma.local @!p0 [hbm:s6], $0xF7A  }
0x23: {  	s9 =	sor.u32 $0xD0000000, s2;
	s6 =	simm.s32 $0x108;
	_ =	swait.ge @!p0 [sflag:s8], $0x0  }
0x24: {  	s3 =	sadd.s32 $0x88, s3;
	s6 =	simm.s32 @!p1 $0x1082;
	[sflag:s4] =	ssyncset.s32 $0xFFFFF086  }
0x25: {  	[simem:s6], [sflag:s4] =	dma.local [hbm:s3], $0xF7A  }
0x26: {  	[smem:$0x3F97] =	sst s1;
	(tag) =	ssettag s2;
	_ =	strace s9  }
0x27: {  	s1 =	sld [smem:$0x3FA7]  }
0x28: {  	s2 =	sld [smem:$0x3FA8]  }
0x29: {  	s4 =	sld [smem:$0x3FAA]  }
0x2a: {  	p0 =	seq.s32 s5, $0x0;
	s5 =	sld [smem:$0x3FAB]  }
0x2b: {  	s6 =	sld [smem:$0x3FAC]  }
0x2c: {  	s7 =	sld [smem:$0x3FAD]  }
0x2d: {  	s3 =	simm.s32 $0x108;
	s8 =	sld [smem:$0x3FAE]  }
0x2e: {  	s3 =	simm.s32 @!p0 $0x1082;
	s9 =	sld [smem:$0x3FAF]  }
0x2f: {  	lr =	sadd.s32 s0, s3;
	s0 =	sld [smem:$0x3FA6]  }
0x30: {  	s3 =	sld [smem:$0x3FA9]  }
0x31: {  	[smem:$0x3FB2] =	sst s10  }
0x32: {  	s10 =	sld [smem:$0x3FB0];
	_ =	sdelay $0x3  }
0x33: {  	p0 =	seq.s32 s10, $0x1;
	s10 =	sld [smem:$0x3FB2];
	_ =	sdelay $0x3  }
0x34: {  	[smem:$0x3FB2] =	sst s10  }
0x35: {  	s10 =	sld [smem:$0x3FB1];
	_ =	sdelay $0x3  }
0x36: {  	p1 =	seq.s32 s10, $0x1;
	s10 =	sld [smem:$0x3FB2];
	_ =	sdelay $0x3  }
0x37: {  	[smem:$0x3FB2] =	sst s10  }
0x38: {  	s10 =	sld [smem:$0x3FB3]  }
0x39: {  	_ = 	snop;
	(pc) =	sbr.ind lr, $3  }
0x3a: {  	_ = 	snop  }
0x3b: {  	_ = 	snop  }
0x3c: {  	p2 =	seq.s32 s10, $0x1;
	s10 =	sld [smem:$0x3FB2]  }
0x3d: {  	_ =	shalt  }
0x3e: {  	_ =	shalt  }
0x3f: {  	_ =	shalt  }
0x40: {  	_ =	shalt  }
0x41: {  	_ =	shalt  }
0x42: {  	_ =	shalt  }
0x43: {  	_ =	shalt  }
0x44: {  	_ =	shalt  }
0x45: {  	_ =	shalt  }
0x46: {  	_ =	shalt  }
0x47: {  	_ =	shalt  }
0x48: {  	_ =	shalt  }
0x49: {  	_ =	shalt  }
0x4a: {  	_ =	shalt  }
0x4b: {  	_ =	shalt  }
0x4c: {  	_ =	shalt  }
0x4d: {  	_ =	shalt  }
0x4e: {  	_ =	shalt  }
0x4f: {  	_ =	shalt  }
0x50: {  	_ =	shalt  }
0x51: {  	_ =	shalt  }
0x52: {  	_ =	shalt  }
0x53: {  	_ =	shalt  }
0x54: {  	_ =	shalt  }
0x55: {  	_ =	shalt  }
0x56: {  	_ =	shalt  }
0x57: {  	_ =	shalt  }
0x58: {  	_ =	shalt  }
0x59: {  	_ =	shalt  }
0x5a: {  	_ =	shalt  }
0x5b: {  	_ =	shalt  }
0x5c: {  	_ =	shalt  }
0x5d: {  	_ =	shalt  }
0x5e: {  	_ =	shalt  }
0x5f: {  	_ =	shalt  }
0x60: {  	_ =	shalt  }
0x61: {  	_ =	shalt  }
0x62: {  	_ =	shalt  }
0x63: {  	_ =	shalt  }
0x64: {  	_ =	shalt  }
0x65: {  	_ =	shalt  }
0x66: {  	_ =	shalt  }
0x67: {  	_ =	shalt  }
0x68: {  	_ =	shalt  }
0x69: {  	_ =	shalt  }
0x6a: {  	_ =	shalt  }
0x6b: {  	_ =	shalt  }
0x6c: {  	_ =	shalt  }
0x6d: {  	_ =	shalt  }
0x6e: {  	_ =	shalt  }
0x6f: {  	_ =	shalt  }
0x70: {  	_ =	shalt  }
0x71: {  	_ =	shalt  }
0x72: {  	_ =	shalt  }
0x73: {  	_ =	shalt  }
0x74: {  	_ =	shalt  }
0x75: {  	_ =	shalt  }
0x76: {  	_ =	shalt  }
0x77: {  	_ =	shalt  }
0x78: {  	_ =	shalt  }
0x79: {  	_ =	shalt  }
0x7a: {  	_ =	shalt  }
0x7b: {  	_ =	shalt  }
0x7c: {  	_ =	shalt  }
0x7d: {  	_ =	shalt  }
0x7e: {  	_ =	shalt  }
0x7f: {  	_ =	shalt  }
0x80: {  	_ =	shalt  }
0x81: {  	_ =	shalt  }
0x82: {  	_ =	shalt  }
0x83: {  	_ =	shalt  }
0x84: {  	_ =	shalt  }
0x85: {  	_ =	shalt  }
0x86: {  	_ =	shalt  }
0x87: {  	_ =	shalt  }
.Lfunc_end0:
.L_simem_size_0:
called_computation.2_lowered:
.L_overlay_start_0:
0x88: {  	s2 =	sld [smem:$0x3FD9]  }
0x89: {  	s3 =	sld [smem:$0x3FFE];
	_ =	sdelay $0x1  }
0x8a: {  	s1 =	srdreg.scid  }
0x8b: {  	s0 =	sand.u32 $0x1, s1  }
0x8c: {  	s16 =	sshll.u32 s0, $0xA;
	s2 =	sadd.s32 s3, s2  }
0x8d: {  	s2 =	sadd.s32 s2, s16  }
0x8e: {  	[smem:$0x3FBE] =	sst s2  }
0x8f: {  	_ = 	snop  }
0x90: {  	(tm) =	ssettm $0x1  }
0x91: {  	s17 =	sld [smem:$0x3FFB];
	_ =	sdelay $0x3  }
0x92: {  	_ =	strace s17  }
0x93: {  	s2 =	sld [smem:$0x3FFC];
	_ =	sdelay $0x3  }
0x94: {  	_ =	strace s2  }
0x95: {  	s2 =	sld [smem:$0x3FFD];
	_ =	sdelay $0x3  }
0x96: {  	_ =	strace s2  }
0x97: {  	_ =	strace $0x8FFFFFFF  }
0x98: {  	s18 =	sld [smem:$0x3FDB];
	_ =	sdelay $0x1  }
0x99: {  	s19 =	simm.s32 $_scs_section_size  }
0x9a: {  	s4 =	simm.s32 $_size__tile_overlayer_lowered;
	s5 =	simm.s32 $_tile_overlayer_lowered  }
0x9b: {  	s22 =	simm.s32 $0x1BFF;
	s21 =	sshll.u32 s5, $0x1;
	s2 =	sadd.s32 s19, s18  }
0x9c: {  	s6 =	simm.s32 $0x0;
	s20 =	sshll.u32 s4, $0x1;
	s4 =	sadd.s32 s21, s2  }
0x9d: {  	[timem:s6], [sflag:s22] =	dma.local [hbm:s4], s20  }
0x9e: {  	_ =	swait.ge [sflag:s22], s20  }
0x9f: {  	s3 =	ssub.s32 $0x0, s20;
	[sflag:s22] =	ssyncset.done $0x0  }
0xa0: {  	[sflag:s22] =	ssyncadd.s32 s3;
	_ =	sdelay $0x1  }
0xa1: {  	s23 =	simm.s32 $0x1B8B  }
0xa2: {  	_ =	swait.ge [sflag:s23], $0x1  }
0xa3: {  	[sflag:s23] =	ssyncset.done $0x0  }
0xa4: {  	s25 =	simm.s32 $0x1B8E;
	s24 =	sld [smem:$0x3FFE];
	[sflag:s23] =	ssyncadd.s32 $0xFFFFFFFF  }
0xa5: {  	s26 =	simm.s32 $execute0_lowered;
	[smem:$0x3FD2] =	sst s25  }
0xa6: {  	s4 =	sshll.u32 s26, $0x1;
	_ =	strace $0x8000004C;
	[dreg:$0x1] =	wrdreg $0xFFFFFFFF  }
0xa7: {  	s28 =	simm.s32 $_size_execute0_lowered;
	s2 =	sadd.s32 s2, s4;
	[dreg:$0x0] =	wrdreg $0x0  }
0xa8: {  	s4 =	sshll.u32 s28, $0x1;
	[dreg:$0x2] =	wrdreg s2  }
0xa9: {  	[dreg:$0x3] =	wrdreg s4  }
0xaa: {  	[dreg:$0x4] =	wrdreg $0xC0  }
0xab: {  	_ =	task [dreg:s6], $0x5FFFF  }
0xac: {  	[dreg:$0x1] =	wrdreg $0xFFFFFFFF  }
0xad: {  	[dreg:$0x0] =	wrdreg $0x60  }
0xae: {  	[dreg:$0x2] =	wrdreg s24  }
0xaf: {  	[dreg:$0x3] =	wrdreg $0x150000  }
0xb0: {  	[dreg:$0x4] =	wrdreg $0x9  }
0xb1: {  	_ =	task.clear_ibuf [dreg:s6], $0x5FFFF;
	_ =	strace $0x9000004C  }
0xb2: {  	s29 =	simm.s32 $0x9;
	_ =	strace $0x8000004E  }
0xb3: {  	_ =	swait.ge [sflag:s29], $0x1  }
0xb4: {  	[sflag:s29] =	ssyncadd.s32 $0xFFFFFFFF  }
0xb5: {  	_ =	strace $0x9000004E  }
0xb6: {  	_ =	sfence  }
0xb7: {  	s30 =	sld [smem:$0x0];
	_ =	sdelay $0x2  }
0xb8: {  	s31 =	sshll.u32 s1, $0xD;
	s1 =	sshrl.u32 s1, $0x2  }
0xb9: {  	s3 =	sand.u32 $0x4000, s31;
	s1 =	sadd.s32 s1, s30  }
0xba: {  	s0 =	sor.u32 s3, s0;
	s1 =	sshll.u32 s1, $0x11  }
0xbb: {  	s0 =	sor.u32 s1, s0  }
0xbc: {  	s0 =	sadd.s32 $0x8F2B, s0  }
0xbd: {  	[sflag:s0] =	ssyncadd.remote.s32 $0x1  }
0xbe: {  	_ =	sfence.sel $0xFFFF  }
0xbf: {  	[dreg:$0x0] =	wrdreg $0xFFFFFFFF;
	(pc) =	sbr.abs _section_cstart, $3  }
0xc0: {  	[dreg:$0x1] =	wrdreg $0xFFFFFFFF  }
0xc1: {  	_ =	task.clear_ibuf [dreg:s6], $0x2FFFF;
	_ =	strace $0x9FFFFFFF  }
0xc2: {  	(tm) =	ssettm $0x7FFFFFFF  }
0xc3: {  	_ =	shalt  }
tec
execute0_lowered:
.L_overlay_start_1:
0x0: {  	(tag) =	ssettag $0x1  }
0x1: {  	s0 =	srdreg.scid  }
0x2: {  	s9 =	stileid.u32;
	s6 =	rddreg [dreg:$0x0]  }
0x3: {  	s2 =	rddreg [dreg:$0x1];
	s3 =	simm.s32 $0x0;
	s15 =	simm.s32 $0x9  }
0x4: {  	s16 =	simm.s32 $0x2800;
	s17 =	simm.s32 $0x5000;
	s18 =	simm.s32 $0x100  }
0x5: {  	s19 =	simm.s32 $0x9000;
	s20 =	simm.s32 $0x1;
	s22 =	simm.s32 $0xD000  }
0x6: {  	s23 =	simm.s32 $0x2;
	s28 =	simm.s32 $0x3;
	s29 =	simm.s32 $0x5  }
0x7: {  	s30 =	simm.s32 $0x4;
	s31 =	simm.s32 $0x6;
	s0 =	sand.u32 $0x1, s0  }
0x8: {  	s8 =	smul.u32 $0xA000, s9;
	[smem:$0x7FF] =	sst s3;
	s4 =	sadd.s32 $0x16000, s6  }
0x9: {  	s24 =	sadd.s32 $0x2A000, s6;
	s1 =	sshll.u32 s0, $0x4;
	s5 =	smul.u32 $0xA0000, s0  }
0xa: {  	_ =	strace $0x8000004D;
	s0 =	ssub.s32 $0x2, s0;
	[dreg:$0x3] =	wrdreg s24  }
0xb: {  	s1 =	sor.u32 s9, s1;
	s9 =	smul.u32 $0x28000, s9;
	s25 =	sshrl.u32 s0, $0x1  }
0xc: {  	s1 =	smul.u32 $0x500, s1;
	s5 =	sadd.s32 s8, s5;
	s0 =	ssub.s32 s0, s25  }
0xd: {  	s8 =	sadd.s32 s8, s2;
	s25 =	simm.s32 $0x0;
	s7 =	sshrl.u32 s5, $0x3  }
0xe: {  	s9 =	sshrl.u32 s9, $0x2;
	s14 =	smax.u32 s0, $0x1;
	s0 =	simm.s32 $0x8  }
0xf: {  	s1 =	sadd.s32 s1, s6;
	s13 =	sadd.s32 s7, s6;
	s26 =	sadd.s32 s9, s2  }
0x10: {  	s6 =	sadd.s32 $0x2000, s1;
	s7 =	sadd.s32 $0xC000, s1;
	s9 =	sadd.s32 $0x2000, s26  }
0x11: {  	s10 =	sadd.s32 $0x4000, s26;
	s11 =	sadd.s32 $0x6000, s26;
	s12 =	sadd.s32 $0x8000, s26  }
0x12: {  	s13 =	sadd.s32 $0x2A400, s13;
	s26 =	simm.s32 $0x11000;
	s1 =	simm.s32 $0x7  }
.LBB2_1:
0x13: {  	[tilespmem:s3], [sflag:$0x9] =	stream.linear.gather [hbm4b:s6+s3], $0x2800, $0x38;
	[tilespmem:$0x1F000] =	vst v63  }
0x14: {  	_ =	swait.ge [sflag:s15], $0x2800  }
0x15: {  	[sflag:s15] =	ssyncset.done $0x0  }
0x16: {  	[sflag:s15] =	ssyncadd.s32 $0xFFFFD800  }
0x17: {  	[tilespmem:s16], [sflag:$0x9] =	stream.linear.gather [hbm4b:s7+s3], $0x2800, $0x38;
	[tilespmem:$0x1F000] =	vst v63  }
0x18: {  	_ =	swait.ge [sflag:s15], $0x2800  }
0x19: {  	[sflag:s15] =	ssyncset.done $0x0  }
0x1a: {  	s5 =	rddreg [dreg:$0x3];
	[sflag:s15] =	ssyncadd.s32 $0xFFFFD800  }
0x1b: {  	[tilespmem:s17], [sflag:$0x9] =	stream.linear.gather [hbm4b:s5+s3], $0x2000, $0x38;
	[tilespmem:$0x1F000] =	vst v63  }
0x1c: {  	_ =	swait.ge [sflag:s15], $0x2000  }
0x1d: {  	[sflag:s15] =	ssyncset.done $0x0  }
0x1e: {  	[sflag:s15] =	ssyncadd.s32 $0xFFFFE000  }
0x1f: {  	[spmem:s8] =	stream.linear.scatter [tilespmem:s17], [sflag:$0x9], $0x2000, $0x38;
	[tilespmem:$0x1F000] =	vst v63  }
0x20: {  	_ =	swait.ge [sflag:s15], $0x2000  }
0x21: {  	[sflag:s15] =	ssyncset.done $0x0  }
0x22: {  	[sflag:s15] =	ssyncadd.s32 $0xFFFFE000  }
0x23: {  	[spmem:s9] =	stream.linear.scatter [tilespmem:s17], [sflag:$0x9], $0x2000, $0x38;
	[tilespmem:$0x1F000] =	vst v63  }
0x24: {  	_ =	swait.ge [sflag:s15], $0x2000  }
0x25: {  	[sflag:s15] =	ssyncset.done $0x0  }
0x26: {  	[sflag:s15] =	ssyncadd.s32 $0xFFFFE000  }
0x27: {  	[spmem:s10] =	stream.linear.scatter [tilespmem:s17], [sflag:$0x9], $0x2000, $0x38;
	[tilespmem:$0x1F000] =	vst v63  }
0x28: {  	_ =	swait.ge [sflag:s15], $0x2000  }
0x29: {  	[sflag:s15] =	ssyncset.done $0x0  }
0x2a: {  	[sflag:s15] =	ssyncadd.s32 $0xFFFFE000  }
0x2b: {  	[spmem:s11] =	stream.linear.scatter [tilespmem:s17], [sflag:$0x9], $0x2000, $0x38;
	[tilespmem:$0x1F000] =	vst v63  }
0x2c: {  	_ =	swait.ge [sflag:s15], $0x2000  }
0x2d: {  	[sflag:s15] =	ssyncset.done $0x0  }
0x2e: {  	[sflag:s15] =	ssyncadd.s32 $0xFFFFE000  }
0x2f: {  	[spmem:s12] =	stream.linear.scatter [tilespmem:s17], [sflag:$0x9], $0x2000, $0x38;
	[tilespmem:$0x1F000] =	vst v63  }
0x30: {  	_ =	swait.ge [sflag:s15], $0x2000  }
0x31: {  	[sflag:s15] =	ssyncset.done $0x0  }
0x32: {  	[sflag:s15] =	ssyncadd.s32 $0xFFFFE000  }
0x33: {  	[bflag:$0x0] =	sbarrier.arrive $0xFFFF  }
0x34: {  	[tilespmem:s17], [sflag:$0x1] =	stream.indirect.gather [hbm4b:s4+s18], $0x40, s3, s18, $0xb8;
	[tilespmem:$0x1F000] =	vst v63  }
0x35: {  	_ = 	snop  }
0x36: {  	[tilespmem:s19], [sflag:$0x2] =	stream.indirect.gather [hbm4b:s4+s18], $0x40, s18, s18, $0xb8;
	[tilespmem:$0x1F000] =	vst v63  }
0x37: {  	_ =	swait.ge [sflag:s20], $0x4000  }
0x38: {  	[sflag:s20] =	ssyncset.done $0x0  }
0x39: {  	[sflag:s20] =	ssyncadd.s32 $0xFFFFC000  }
0x3a: {  	[spmem:s2] =	stream.indirect.scatter.add.f32 [tilespmem:s17], [sflag:$0x5], $0x40, s16, s18, $0xb8;
	[tilespmem:$0x1F000] =	vst v63  }
0x3b: {  	s24 =	simm.s32 $0x200  }
0x3c: {  	[tilespmem:s22], [sflag:$0x3] =	stream.indirect.gather [hbm4b:s4+s18], $0x40, s24, s18, $0xb8;
	[tilespmem:$0x1F000] =	vst v63  }
0x3d: {  	_ =	swait.ge [sflag:s23], $0x4000  }
0x3e: {  	[sflag:s23] =	ssyncset.done $0x0  }
0x3f: {  	s21 =	simm.s32 $0x2900;
	[sflag:s23] =	ssyncadd.s32 $0xFFFFC000  }
0x40: {  	[spmem:s2] =	stream.indirect.scatter.add.f32 [tilespmem:s19], [sflag:$0x6], $0x40, s21, s18, $0xb8;
	[tilespmem:$0x1F000] =	vst v63  }
0x41: {  	s24 =	simm.s32 $0x300  }
0x42: {  	[tilespmem:s26], [sflag:$0x4] =	stream.indirect.gather [hbm4b:s4+s18], $0x40, s24, s18, $0xb8;
	[tilespmem:$0x1F000] =	vst v63  }
0x43: {  	_ =	swait.ge [sflag:s28], $0x4000  }
0x44: {  	[sflag:s28] =	ssyncset.done $0x0  }
0x45: {  	s21 =	simm.s32 $0x2A00;
	[sflag:s28] =	ssyncadd.s32 $0xFFFFC000  }
0x46: {  	[spmem:s2] =	stream.indirect.scatter.add.f32 [tilespmem:s22], [sflag:$0x7], $0x40, s21, s18, $0xb8;
	[tilespmem:$0x1F000] =	vst v63  }
0x47: {  	_ =	swait.ge [sflag:s29], $0x4000  }
0x48: {  	[sflag:s29] =	ssyncset.done $0x0  }
0x49: {  	s5 =	simm.s32 $0x400;
	[sflag:s29] =	ssyncadd.s32 $0xFFFFC000  }
0x4a: {  	[tilespmem:s17], [sflag:$0x1] =	stream.indirect.gather [hbm4b:s4+s18], $0x40, s5, s18, $0xb8;
	[tilespmem:$0x1F000] =	vst v63  }
0x4b: {  	_ =	swait.ge [sflag:s30], $0x4000  }
0x4c: {  	[sflag:s30] =	ssyncset.done $0x0  }
0x4d: {  	s24 =	simm.s32 $0x2B00;
	[sflag:s30] =	ssyncadd.s32 $0xFFFFC000  }
0x4e: {  	[spmem:s2] =	stream.indirect.scatter.add.f32 [tilespmem:s26], [sflag:$0x8], $0x40, s24, s18, $0xb8;
	[tilespmem:$0x1F000] =	vst v63  }
0x4f: {  	_ =	swait.ge [sflag:s31], $0x4000  }
0x50: {  	[sflag:s31] =	ssyncset.done $0x0  }
0x51: {  	s5 =	simm.s32 $0x500;
	[sflag:s31] =	ssyncadd.s32 $0xFFFFC000  }
0x52: {  	[tilespmem:s19], [sflag:$0x2] =	stream.indirect.gather [hbm4b:s4+s18], $0x40, s5, s18, $0xb8;
	[tilespmem:$0x1F000] =	vst v63  }
0x53: {  	_ =	swait.ge [sflag:s20], $0x4000  }
0x54: {  	[sflag:s20] =	ssyncset.done $0x0  }
0x55: {  	s24 =	simm.s32 $0x2C00;
	[sflag:s20] =	ssyncadd.s32 $0xFFFFC000  }
0x56: {  	[spmem:s2] =	stream.indirect.scatter.add.f32 [tilespmem:s17], [sflag:$0x5], $0x40, s24, s18, $0xb8;
	[tilespmem:$0x1F000] =	vst v63  }
0x57: {  	_ =	swait.ge [sflag:s1], $0x4000  }
0x58: {  	[sflag:s1] =	ssyncset.done $0x0  }
0x59: {  	s5 =	simm.s32 $0x600;
	[sflag:s1] =	ssyncadd.s32 $0xFFFFC000  }
0x5a: {  	[tilespmem:s22], [sflag:$0x3] =	stream.indirect.gather [hbm4b:s4+s18], $0x40, s5, s18, $0xb8;
	[tilespmem:$0x1F000] =	vst v63  }
0x5b: {  	_ =	swait.ge [sflag:s23], $0x4000  }
0x5c: {  	[sflag:s23] =	ssyncset.done $0x0  }
0x5d: {  	s24 =	simm.s32 $0x2D00;
	[sflag:s23] =	ssyncadd.s32 $0xFFFFC000  }
0x5e: {  	[spmem:s2] =	stream.indirect.scatter.add.f32 [tilespmem:s19], [sflag:$0x6], $0x40, s24, s18, $0xb8;
	[tilespmem:$0x1F000] =	vst v63  }
0x5f: {  	_ =	swait.ge [sflag:s0], $0x4000  }
0x60: {  	[sflag:s0] =	ssyncset.done $0x0  }
0x61: {  	s21 =	simm.s32 $0x1000;
	s24 =	simm.s32 $0x700;
	[sflag:s0] =	ssyncadd.s32 $0xFFFFC000  }
.LBB2_2:
0x62: {  	[tilespmem:s26], [sflag:$0x4] =	stream.indirect.gather [hbm4b:s4+s18], $0x40, s24, s18, $0xb8;
	[tilespmem:$0x1F000] =	vst v63  }
0x63: {  	s24 =	smov.u32 s21  }
0x64: {  	p0 =	sne.s32 s21, $0x8000;
	s21 =	sadd.s32 $0x1000, s21;
	_ =	swait.ge [sflag:s28], $0x4000  }
0x65: {  	s24 =	sshra.s32 s24, $0x2;
	[sflag:s28] =	ssyncset.done $0x0  }
0x66: {  	s5 =	sadd.s32 $0x2A00, s24;
	[sflag:s28] =	ssyncadd.s32 $0xFFFFC000  }
0x67: {  	[spmem:s2] =	stream.indirect.scatter.add.f32 [tilespmem:s22], [sflag:$0x7], $0x40, s5, s18, $0xb8;
	[tilespmem:$0x1F000] =	vst v63  }
0x68: {  	_ =	swait.ge [sflag:s29], $0x4000  }
0x69: {  	[sflag:s29] =	ssyncset.done $0x0  }
0x6a: {  	s5 =	sadd.s32 $0x400, s24;
	[sflag:s29] =	ssyncadd.s32 $0xFFFFC000  }
0x6b: {  	[tilespmem:s17], [sflag:$0x1] =	stream.indirect.gather [hbm4b:s4+s18], $0x40, s5, s18, $0xb8;
	[tilespmem:$0x1F000] =	vst v63  }
0x6c: {  	_ =	swait.ge [sflag:s30], $0x4000  }
0x6d: {  	[sflag:s30] =	ssyncset.done $0x0  }
0x6e: {  	s5 =	sadd.s32 $0x2B00, s24;
	[sflag:s30] =	ssyncadd.s32 $0xFFFFC000  }
0x6f: {  	[spmem:s2] =	stream.indirect.scatter.add.f32 [tilespmem:s26], [sflag:$0x8], $0x40, s5, s18, $0xb8;
	[tilespmem:$0x1F000] =	vst v63  }
0x70: {  	_ =	swait.ge [sflag:s31], $0x4000  }
0x71: {  	[sflag:s31] =	ssyncset.done $0x0  }
0x72: {  	s5 =	sadd.s32 $0x500, s24;
	[sflag:s31] =	ssyncadd.s32 $0xFFFFC000  }
0x73: {  	[tilespmem:s19], [sflag:$0x2] =	stream.indirect.gather [hbm4b:s4+s18], $0x40, s5, s18, $0xb8;
	[tilespmem:$0x1F000] =	vst v63  }
0x74: {  	_ =	swait.ge [sflag:s20], $0x4000  }
0x75: {  	[sflag:s20] =	ssyncset.done $0x0  }
0x76: {  	s5 =	sadd.s32 $0x2C00, s24;
	[sflag:s20] =	ssyncadd.s32 $0xFFFFC000  }
0x77: {  	[spmem:s2] =	stream.indirect.scatter.add.f32 [tilespmem:s17], [sflag:$0x5], $0x40, s5, s18, $0xb8;
	[tilespmem:$0x1F000] =	vst v63  }
0x78: {  	_ =	swait.ge [sflag:s1], $0x4000  }
0x79: {  	[sflag:s1] =	ssyncset.done $0x0  }
0x7a: {  	s5 =	sadd.s32 $0x600, s24;
	[sflag:s1] =	ssyncadd.s32 $0xFFFFC000  }
0x7b: {  	[tilespmem:s22], [sflag:$0x3] =	stream.indirect.gather [hbm4b:s4+s18], $0x40, s5, s18, $0xb8;
	[tilespmem:$0x1F000] =	vst v63  }
0x7c: {  	_ =	swait.ge [sflag:s23], $0x4000  }
0x7d: {  	[sflag:s23] =	ssyncset.done $0x0  }
.Ltmp0:
0x7e: {  	s5 =	sadd.s32 $0x2D00, s24;
	[sflag:s23] =	ssyncadd.s32 $0xFFFFC000;
	(pc) =	sbr.rel @p0 .LBB2_2-.Ltmp0, $4  }
0x7f: {  	[spmem:s2] =	stream.indirect.scatter.add.f32 [tilespmem:s19], [sflag:$0x6], $0x40, s5, s18, $0xb8;
	[tilespmem:$0x1F000] =	vst v63  }
0x80: {  	_ =	swait.ge [sflag:s0], $0x4000  }
0x81: {  	[sflag:s0] =	ssyncset.done $0x0  }
0x82: {  	s24 =	sadd.s32 $0x700, s24;
	[sflag:s0] =	ssyncadd.s32 $0xFFFFC000  }
0x83: {  	[tilespmem:s26], [sflag:$0x4] =	stream.indirect.gather [hbm4b:s4+s18], $0x40, s24, s18, $0xb8;
	[tilespmem:$0x1F000] =	vst v63  }
0x84: {  	_ =	swait.ge [sflag:s28], $0x4000  }
0x85: {  	[sflag:s28] =	ssyncset.done $0x0  }
0x86: {  	s5 =	simm.s32 $0x4E00;
	[sflag:s28] =	ssyncadd.s32 $0xFFFFC000  }
0x87: {  	[spmem:s2] =	stream.indirect.scatter.add.f32 [tilespmem:s22], [sflag:$0x7], $0x40, s5, s18, $0xb8;
	[tilespmem:$0x1F000] =	vst v63  }
0x88: {  	_ =	swait.ge [sflag:s30], $0x4000  }
0x89: {  	[sflag:s30] =	ssyncset.done $0x0  }
0x8a: {  	s21 =	simm.s32 $0x4F00;
	[sflag:s30] =	ssyncadd.s32 $0xFFFFC000  }
0x8b: {  	[spmem:s2] =	stream.indirect.scatter.add.f32 [tilespmem:s26], [sflag:$0x8], $0x40, s21, s18, $0xb8;
	[tilespmem:$0x1F000] =	vst v63  }
0x8c: {  	_ =	swait.ge [sflag:s29], $0x4000  }
0x8d: {  	[sflag:s29] =	ssyncset.done $0x0  }
0x8e: {  	[sflag:s29] =	ssyncadd.s32 $0xFFFFC000  }
0x8f: {  	_ =	swait.ge [sflag:s31], $0x4000  }
0x90: {  	[sflag:s31] =	ssyncset.done $0x0  }
0x91: {  	[sflag:s31] =	ssyncadd.s32 $0xFFFFC000  }
0x92: {  	_ =	swait.ge [sflag:s1], $0x4000  }
0x93: {  	[sflag:s1] =	ssyncset.done $0x0  }
0x94: {  	[sflag:s1] =	ssyncadd.s32 $0xFFFFC000  }
0x95: {  	s24 =	stileid.u32;
	_ =	swait.ge [sflag:s0], $0x4000  }
0x96: {  	s25 =	sadd.s32 $0x1, s25;
	s5 =	sshll.u32 s24, $0x6;
	[sflag:s0] =	ssyncset.done $0x0  }
0x97: {  	p0 =	sne.s32 s25, s14;
	s5 =	sor.u32 $0x1C09, s5;
	[sflag:s0] =	ssyncadd.s32 $0xFFFFC000  }
.Ltmp1:
0x98: {  	s21 =	sshrl.u32 s8, $0x3;
	[bflag:$0x0] =	sbarrier.arrive $0xFFFF;
	(pc) =	sbr.rel @p0 .LBB2_1-.Ltmp1, $4  }
0x99: {  	[hbm:s13], [sflag:s5] =	dma.local [spmem:s21], $0x1400  }
0x9a: {  	_ =	swait.ge [sflag:s15], $0x1400  }
0x9b: {  	[sflag:s15] =	ssyncset.done $0x0  }
0x9c: {  	[sflag:s15] =	ssyncadd.s32 $0xFFFFEC00  }
0x9d: {  	_ =	sfence.sel $0x180000  }
0x9e: {  	[bflag:$0x0] =	sbarrier.arrive $0xFFFF  }
0x9f: {  	_ =	strace $0x9000004D  }
0xa0: {  	s0 =	stileid.u32;
	[bflag:$0x2] =	sbarrier.arrive $0xFFFF  }
0xa1: {  	p0 =	sne.s32 s0, $0x0;
	s0 =	rddreg [dreg:$0x2]  }
0xa2: {  	s0 =	sadd.s32 @!p0 $0x100000, s0  }
0xa3: {  	[sflag:s0] =	ssyncadd.tile.s32 @!p0 $0x1;
	_ =	shalt  }
.Lfunc_end2:
_tile_overlayer_lowered:
.L_overlay_start_2:
0xa4: {  	(tag) =	ssettag $0x2  }
0xa5: {  	s0 =	rddreg [dreg:$0x0];
	s2 =	stileid.u32  }
0xa6: {  	s1 =	rddreg [dreg:$0x1];
	p0 =	sne.s32 s2, $0x0  }
0xa7: {  	s3 =	rddreg [dreg:$0x2];
	[bflag:$0x3] =	sbarrier.arrive $0xFFFF;
	s2 =	simm.s32 @!p0 $0x1C09  }
0xa8: {  	[timem:s3], [sflag:s2] =	dma.local @!p0 [hbm:s0], s1  }
0xa9: {  	s0 =	simm.s32 @!p0 $0x9  }
0xaa: {  	_ =	swait.ge @!p0 [sflag:s0], s1  }
0xab: {  	s1 =	ssub.s32 @!p0 $0x0, s1;
	[sflag:s0] =	ssyncset.done @!p0 $0x0  }
0xac: {  	[sflag:s0] =	ssyncadd.s32 @!p0 s1  }
0xad: {  	[bflag:$0x3] =	sbarrier.arrive $0xFFFF  }
0xae: {  	_ =	shalt  }

// kernel: kernel.8.cloned.1.call-start
scs
__scs_entry_jumppad:
0x0: {  	(pc) =	sbr.rel $0x88, $3  }
0x1: {  	(tag) =	ssettag $0x0;
	lr =	simm.s32 $0x1  }
0x2: {  	[smem:$0x3F97] =	sst lr;
	_ =	strace $0xD0000000  }
0x3: {  	_ = 	snop  }
0x4: {  	_ = 	snop  }
0x5: {  	_ = 	snop  }
0x6: {  	_ = 	snop  }
0x7: {  	_ = 	snop  }
__scs_overlays_trampoline_lowered:
0x8: {  	[smem:$0x3FA6] =	sst s0  }
0x9: {  	[smem:$0x3FA7] =	sst s1  }
0xa: {  	[smem:$0x3FA8] =	sst s2  }
0xb: {  	[smem:$0x3FA9] =	sst s3  }
0xc: {  	[smem:$0x3FAA] =	sst s4  }
0xd: {  	[smem:$0x3FAB] =	sst s5  }
0xe: {  	[smem:$0x3FAC] =	sst s6  }
0xf: {  	[smem:$0x3FAD] =	sst s7  }
0x10: {  	[smem:$0x3FAE] =	sst s8  }
0x11: {  	[smem:$0x3FAF] =	sst s9;
	s0 =	simm.s32 @!p0 $0x0  }
0x12: {  	s1 =	sld [smem:$0x3F95];
	s0 =	simm.s32 @p0 $0x1  }
0x13: {  	[smem:$0x3FB0] =	sst s0;
	s0 =	simm.s32 @!p1 $0x0  }
0x14: {  	s2 =	sld [smem:$0x3F94];
	s0 =	simm.s32 @p1 $0x1  }
0x15: {  	[smem:$0x3FB1] =	sst s0;
	s0 =	simm.s32 @!p2 $0x0  }
0x16: {  	s3 =	sld [smem:$0x3FDB];
	s0 =	simm.s32 @p2 $0x1  }
0x17: {  	s4 =	simm.s32 $0x1BF5;
	[smem:$0x3FB3] =	sst s0  }
0x18: {  	s0 =	sld [smem:$0x3F96];
	_ =	swait.ge [sflag:s4], $0x0  }
0x19: {  	s7 =	sld [smem:$0x3F97]  }
0x1a: {  	s8 =	sadd.s32 $0xFFFFE003, lr  }
0x1b: {  	s9 =	sadd.s32 $0xFFFFFEF7, lr;
	s5 =	simm.s32 $0xFFFFFFFF;
	p2 =	slt.u32 s8, $0xFFFFF086  }
0x1c: {  	p1 =	slt.u32 s9, $0xF7A;
	s5 =	simm.s32 @!p2 $0x0  }
0x1d: {  	s5 =	simm.s32 @p1 $0x1;
	p0 =	seq.s32 s7, s2  }
0x1e: {  	s7 =	smul.u32 @!p0 $0xF7A, s2;
	p2 =	seq.s32 @!p0 s5, $0x0  }
0x1f: {  	s9 =	smul.u32 $0xF7A, s1;
	s8 =	simm.s32 @!p0 $0x1BF5;
	p2 =	por !p2, p0  }
0x20: {  	[sflag:s8] =	ssyncset.s32 @!p0 $0xFFFFF086;
	s6 =	sadd.s32 @!p0 s3, s7;
	s7 =	simm.s32 @!p0 $0x108  }
0x21: {  	s3 =	sadd.s32 s3, s9;
	s6 =	sadd.s32 @!p0 $0x88, s6;
	s7 =	simm.s32 @p2 $0x1082  }
0x22: {  	[simem:s7], [sflag:s8] =	dma.local @!p0 [hbm:s6], $0xF7A  }
0x23: {  	s9 =	sor.u32 $0xD0000000, s2;
	s6 =	simm.s32 $0x108;
	_ =	swait.ge @!p0 [sflag:s8], $0x0  }
0x24: {  	s3 =	sadd.s32 $0x88, s3;
	s6 =	simm.s32 @!p1 $0x1082;
	[sflag:s4] =	ssyncset.s32 $0xFFFFF086  }
0x25: {  	[simem:s6], [sflag:s4] =	dma.local [hbm:s3], $0xF7A  }
0x26: {  	[smem:$0x3F97] =	sst s1;
	(tag) =	ssettag s2;
	_ =	strace s9  }
0x27: {  	s1 =	sld [smem:$0x3FA7]  }
0x28: {  	s2 =	sld [smem:$0x3FA8]  }
0x29: {  	s4 =	sld [smem:$0x3FAA]  }
0x2a: {  	p0 =	seq.s32 s5, $0x0;
	s5 =	sld [smem:$0x3FAB]  }
0x2b: {  	s6 =	sld [smem:$0x3FAC]  }
0x2c: {  	s7 =	sld [smem:$0x3FAD]  }
0x2d: {  	s3 =	simm.s32 $0x108;
	s8 =	sld [smem:$0x3FAE]  }
0x2e: {  	s3 =	simm.s32 @!p0 $0x1082;
	s9 =	sld [smem:$0x3FAF]  }
0x2f: {  	lr =	sadd.s32 s0, s3;
	s0 =	sld [smem:$0x3FA6]  }
0x30: {  	s3 =	sld [smem:$0x3FA9]  }
0x31: {  	[smem:$0x3FB2] =	sst s10  }
0x32: {  	s10 =	sld [smem:$0x3FB0];
	_ =	sdelay $0x3  }
0x33: {  	p0 =	seq.s32 s10, $0x1;
	s10 =	sld [smem:$0x3FB2];
	_ =	sdelay $0x3  }
0x34: {  	[smem:$0x3FB2] =	sst s10  }
0x35: {  	s10 =	sld [smem:$0x3FB1];
	_ =	sdelay $0x3  }
0x36: {  	p1 =	seq.s32 s10, $0x1;
	s10 =	sld [smem:$0x3FB2];
	_ =	sdelay $0x3  }
0x37: {  	[smem:$0x3FB2] =	sst s10  }
0x38: {  	s10 =	sld [smem:$0x3FB3]  }
0x39: {  	_ = 	snop;
	(pc) =	sbr.ind lr, $3  }
0x3a: {  	_ = 	snop  }
0x3b: {  	_ = 	snop  }
0x3c: {  	p2 =	seq.s32 s10, $0x1;
	s10 =	sld [smem:$0x3FB2]  }
0x3d: {  	_ =	shalt  }
0x3e: {  	_ =	shalt  }
0x3f: {  	_ =	shalt  }
0x40: {  	_ =	shalt  }
0x41: {  	_ =	shalt  }
0x42: {  	_ =	shalt  }
0x43: {  	_ =	shalt  }
0x44: {  	_ =	shalt  }
0x45: {  	_ =	shalt  }
0x46: {  	_ =	shalt  }
0x47: {  	_ =	shalt  }
0x48: {  	_ =	shalt  }
0x49: {  	_ =	shalt  }
0x4a: {  	_ =	shalt  }
0x4b: {  	_ =	shalt  }
0x4c: {  	_ =	shalt  }
0x4d: {  	_ =	shalt  }
0x4e: {  	_ =	shalt  }
0x4f: {  	_ =	shalt  }
0x50: {  	_ =	shalt  }
0x51: {  	_ =	shalt  }
0x52: {  	_ =	shalt  }
0x53: {  	_ =	shalt  }
0x54: {  	_ =	shalt  }
0x55: {  	_ =	shalt  }
0x56: {  	_ =	shalt  }
0x57: {  	_ =	shalt  }
0x58: {  	_ =	shalt  }
0x59: {  	_ =	shalt  }
0x5a: {  	_ =	shalt  }
0x5b: {  	_ =	shalt  }
0x5c: {  	_ =	shalt  }
0x5d: {  	_ =	shalt  }
0x5e: {  	_ =	shalt  }
0x5f: {  	_ =	shalt  }
0x60: {  	_ =	shalt  }
0x61: {  	_ =	shalt  }
0x62: {  	_ =	shalt  }
0x63: {  	_ =	shalt  }
0x64: {  	_ =	shalt  }
0x65: {  	_ =	shalt  }
0x66: {  	_ =	shalt  }
0x67: {  	_ =	shalt  }
0x68: {  	_ =	shalt  }
0x69: {  	_ =	shalt  }
0x6a: {  	_ =	shalt  }
0x6b: {  	_ =	shalt  }
0x6c: {  	_ =	shalt  }
0x6d: {  	_ =	shalt  }
0x6e: {  	_ =	shalt  }
0x6f: {  	_ =	shalt  }
0x70: {  	_ =	shalt  }
0x71: {  	_ =	shalt  }
0x72: {  	_ =	shalt  }
0x73: {  	_ =	shalt  }
0x74: {  	_ =	shalt  }
0x75: {  	_ =	shalt  }
0x76: {  	_ =	shalt  }
0x77: {  	_ =	shalt  }
0x78: {  	_ =	shalt  }
0x79: {  	_ =	shalt  }
0x7a: {  	_ =	shalt  }
0x7b: {  	_ =	shalt  }
0x7c: {  	_ =	shalt  }
0x7d: {  	_ =	shalt  }
0x7e: {  	_ =	shalt  }
0x7f: {  	_ =	shalt  }
0x80: {  	_ =	shalt  }
0x81: {  	_ =	shalt  }
0x82: {  	_ =	shalt  }
0x83: {  	_ =	shalt  }
0x84: {  	_ =	shalt  }
0x85: {  	_ =	shalt  }
0x86: {  	_ =	shalt  }
0x87: {  	_ =	shalt  }
.Lfunc_end0:
.L_simem_size_0:
called_computation_lowered:
.L_overlay_start_0:
0x88: {  	s2 =	sld [smem:$0x3FD9]  }
0x89: {  	s3 =	sld [smem:$0x3FFE];
	_ =	sdelay $0x1  }
0x8a: {  	s1 =	srdreg.scid  }
0x8b: {  	s0 =	sand.u32 $0x1, s1  }
0x8c: {  	s16 =	sshll.u32 s0, $0xA;
	s2 =	sadd.s32 s3, s2  }
0x8d: {  	s2 =	sadd.s32 s2, s16  }
0x8e: {  	[smem:$0x3FBE] =	sst s2  }
0x8f: {  	_ = 	snop  }
0x90: {  	(tm) =	ssettm $0x1  }
0x91: {  	s17 =	sld [smem:$0x3FFB];
	_ =	sdelay $0x3  }
0x92: {  	_ =	strace s17  }
0x93: {  	s2 =	sld [smem:$0x3FFC];
	_ =	sdelay $0x3  }
0x94: {  	_ =	strace s2  }
0x95: {  	s2 =	sld [smem:$0x3FFD];
	_ =	sdelay $0x3  }
0x96: {  	_ =	strace s2  }
0x97: {  	_ =	strace $0x8FFFFFFF  }
0x98: {  	s18 =	sld [smem:$0x3FDB];
	_ =	sdelay $0x1  }
0x99: {  	s19 =	simm.s32 $_scs_section_size  }
0x9a: {  	s4 =	simm.s32 $_size__tile_overlayer_lowered;
	s5 =	simm.s32 $_tile_overlayer_lowered  }
0x9b: {  	s22 =	simm.s32 $0x1BFF;
	s21 =	sshll.u32 s5, $0x1;
	s2 =	sadd.s32 s19, s18  }
0x9c: {  	s6 =	simm.s32 $0x0;
	s20 =	sshll.u32 s4, $0x1;
	s4 =	sadd.s32 s21, s2  }
0x9d: {  	[timem:s6], [sflag:s22] =	dma.local [hbm:s4], s20  }
0x9e: {  	_ =	swait.ge [sflag:s22], s20  }
0x9f: {  	s3 =	ssub.s32 $0x0, s20;
	[sflag:s22] =	ssyncset.done $0x0  }
0xa0: {  	[sflag:s22] =	ssyncadd.s32 s3;
	_ =	sdelay $0x1  }
0xa1: {  	s23 =	simm.s32 $0x1B8B  }
0xa2: {  	_ =	swait.ge [sflag:s23], $0x1  }
0xa3: {  	[sflag:s23] =	ssyncset.done $0x0  }
0xa4: {  	s25 =	simm.s32 $0x1B8E;
	s24 =	sld [smem:$0x3FFE];
	[sflag:s23] =	ssyncadd.s32 $0xFFFFFFFF  }
0xa5: {  	s26 =	simm.s32 $execute0_lowered;
	[smem:$0x3FD2] =	sst s25  }
0xa6: {  	s4 =	sshll.u32 s26, $0x1;
	_ =	strace $0x80000046;
	[dreg:$0x1] =	wrdreg $0xFFFFFFFF  }
0xa7: {  	s28 =	simm.s32 $_size_execute0_lowered;
	s2 =	sadd.s32 s2, s4;
	[dreg:$0x0] =	wrdreg $0x0  }
0xa8: {  	s4 =	sshll.u32 s28, $0x1;
	[dreg:$0x2] =	wrdreg s2  }
0xa9: {  	[dreg:$0x3] =	wrdreg s4  }
0xaa: {  	[dreg:$0x4] =	wrdreg $0xC0  }
0xab: {  	_ =	task [dreg:s6], $0x5FFFF  }
0xac: {  	[dreg:$0x1] =	wrdreg $0xFFFFFFFF  }
0xad: {  	[dreg:$0x0] =	wrdreg $0x60  }
0xae: {  	[dreg:$0x2] =	wrdreg s24  }
0xaf: {  	[dreg:$0x3] =	wrdreg $0x29000  }
0xb0: {  	[dreg:$0x4] =	wrdreg $0x9  }
0xb1: {  	_ =	task.clear_ibuf [dreg:s6], $0x5FFFF;
	_ =	strace $0x90000046  }
0xb2: {  	s29 =	simm.s32 $0x9;
	_ =	strace $0x80000048  }
0xb3: {  	_ =	swait.ge [sflag:s29], $0x1  }
0xb4: {  	[sflag:s29] =	ssyncadd.s32 $0xFFFFFFFF  }
0xb5: {  	_ =	strace $0x90000048  }
0xb6: {  	_ =	sfence  }
0xb7: {  	s30 =	sld [smem:$0x0];
	_ =	sdelay $0x2  }
0xb8: {  	s31 =	sshll.u32 s1, $0xD;
	s1 =	sshrl.u32 s1, $0x2  }
0xb9: {  	s3 =	sand.u32 $0x4000, s31;
	s1 =	sadd.s32 s1, s30  }
0xba: {  	s0 =	sor.u32 s3, s0;
	s1 =	sshll.u32 s1, $0x11  }
0xbb: {  	s0 =	sor.u32 s1, s0  }
0xbc: {  	s0 =	sadd.s32 $0x8F2B, s0  }
0xbd: {  	[sflag:s0] =	ssyncadd.remote.s32 $0x1  }
0xbe: {  	_ =	sfence.sel $0xFFFF  }
0xbf: {  	[dreg:$0x0] =	wrdreg $0xFFFFFFFF;
	(pc) =	sbr.abs _section_cstart, $3  }
0xc0: {  	[dreg:$0x1] =	wrdreg $0xFFFFFFFF  }
0xc1: {  	_ =	task.clear_ibuf [dreg:s6], $0x2FFFF;
	_ =	strace $0x9FFFFFFF  }
0xc2: {  	(tm) =	ssettm $0x7FFFFFFF  }
0xc3: {  	_ =	shalt  }
tec
execute0_lowered:
.L_overlay_start_1:
0x0: {  	(tag) =	ssettag $0x1  }
0x1: {  	s6 =	rddreg [dreg:$0x0]  }
0x2: {  	s0 =	srdreg.scid;
	s2 =	rddreg [dreg:$0x1]  }
0x3: {  	s3 =	simm.s32 $0x0;
	s5 =	sand.u32 $0x1, s0;
	s0 =	stileid.u32  }
0x4: {  	s13 =	simm.s32 $0x100;
	s14 =	simm.s32 $0x0;
	s7 =	smul.u32 $0x280, s0  }
0x5: {  	[smem:$0x7FF] =	sst s3;
	s1 =	sshll.u32 s5, $0x4;
	s8 =	smul.u32 $0x2800, s5  }
0x6: {  	s5 =	ssub.s32 $0x2, s5;
	s31 =	sshll.u32 s0, $0x6;
	s1 =	sor.u32 s0, s1  }
0x7: {  	s11 =	sshrl.u32 s5, $0x1;
	s4 =	smul.u32 $0x500, s1;
	s1 =	rddreg [dreg:$0x2]  }
0x8: {  	_ =	strace $0x80000047;
	s8 =	sadd.s32 s7, s8;
	s10 =	sshrl.u32 s7, $0x3  }
0x9: {  	s11 =	ssub.s32 s5, s11;
	s12 =	sadd.s32 s7, s2;
	s8 =	sshrl.u32 s8, $0x3  }
0xa: {  	s10 =	sadd.s32 s10, s6;
	s12 =	sshrl.u32 s12, $0x3;
	s9 =	sadd.s32 s4, s6  }
0xb: {  	s4 =	sadd.s32 $0x16600, s6;
	s8 =	sadd.s32 s8, s6;
	s6 =	sadd.s32 $0x16000, s10  }
0xc: {  	s10 =	simm.s32 $0x2800;
	s5 =	sadd.s32 $0xC000, s9;
	s7 =	sadd.s32 $0x16800, s8  }
0xd: {  	s8 =	smax.u32 s11, $0x1;
	s9 =	simm.s32 $0x1;
	s11 =	sor.u32 $0x1C01, s31  }
.LBB2_1:
0xe: {  	[tilespmem:s3], [sflag:$0x1] =	stream.linear.gather [hbm4b:s5+s3], $0x2800, $0x38;
	[tilespmem:$0x2B80] =	vst v63  }
0xf: {  	_ =	swait.ge [sflag:s9], $0x2800  }
0x10: {  	[sflag:s9] =	ssyncset.done $0x0  }
0x11: {  	[sflag:s9] =	ssyncadd.s32 $0xFFFFD800  }
0x12: {  	[tilespmem:s10], [sflag:$0x1] =	stream.linear.gather [hbm4b:s4+s3], $0x100, $0x38;
	[tilespmem:$0x2B80] =	vst v63  }
0x13: {  	_ =	swait.ge [sflag:s9], $0x100  }
0x14: {  	[sflag:s9] =	ssyncset.done $0x0  }
0x15: {  	[sflag:s9] =	ssyncadd.s32 $0xFFFFFF00  }
0x16: {  	[spmem:s12], [sflag:s11] =	dma.local [hbm:s6], $0x50  }
0x17: {  	_ =	swait.ge [sflag:s9], $0x50  }
0x18: {  	[sflag:s9] =	ssyncset.done $0x0  }
0x19: {  	[sflag:s9] =	ssyncadd.s32 $0xFFFFFFB0  }
0x1a: {  	s15 =	simm.s32 $0x0;
	[bflag:$0x0] =	sbarrier.arrive $0xFFFF  }
0x1b: {  	[spmem:s2] =	stream.indirect.scatter.add.f32 [tilespmem:s10], [sflag:$0x1], $0x1, s15, s13, $0xb8;
	[tilespmem:$0x2B80] =	vst v63  }
0x1c: {  	_ =	swait.ge [sflag:s9], $0x100  }
0x1d: {  	s15 =	simm.s32 $0x400;
	[sflag:s9] =	ssyncset.done $0x0  }
.LBB2_2:
0x1e: {  	s16 =	sshra.s32 s15, $0x2;
	[sflag:s9] =	ssyncadd.s32 $0xFFFFFF00;
	p0 =	sne.s32 s15, $0x9C00  }
0x1f: {  	[spmem:s2] =	stream.indirect.scatter.add.f32 [tilespmem:s10], [sflag:$0x1], $0x1, s16, s13, $0xb8;
	[tilespmem:$0x2B80] =	vst v63  }
.Ltmp0:
0x20: {  	_ = 	snop;
	(pc) =	sbr.rel @p0 .LBB2_2-.Ltmp0, $4  }
0x21: {  	_ = 	snop  }
0x22: {  	s15 =	sadd.s32 $0x400, s15  }
0x23: {  	_ =	swait.ge [sflag:s9], $0x100  }
0x24: {  	[sflag:s9] =	ssyncset.done $0x0  }
0x25: {  	s14 =	sadd.s32 $0x1, s14  }
0x26: {  	[sflag:s9] =	ssyncadd.s32 $0xFFFFFF00;
	p0 =	sne.s32 s14, s8  }
.Ltmp1:
0x27: {  	[bflag:$0x0] =	sbarrier.arrive $0xFFFF;
	(pc) =	sbr.rel @p0 .LBB2_1-.Ltmp1, $4  }
0x28: {  	[hbm:s7], [sflag:s11] =	dma.local [spmem:s12], $0x50  }
0x29: {  	_ =	swait.ge [sflag:s9], $0x50  }
0x2a: {  	[sflag:s9] =	ssyncset.done $0x0  }
0x2b: {  	[sflag:s9] =	ssyncadd.s32 $0xFFFFFFB0  }
0x2c: {  	_ =	sfence.sel $0x180000  }
0x2d: {  	[bflag:$0x0] =	sbarrier.arrive $0xFFFF  }
0x2e: {  	p0 =	sne.s32 s0, $0x0;
	_ =	strace $0x90000047  }
0x2f: {  	s0 =	sadd.s32 @!p0 $0x100000, s1;
	[bflag:$0x2] =	sbarrier.arrive $0xFFFF  }
0x30: {  	[sflag:s0] =	ssyncadd.tile.s32 @!p0 $0x1;
	_ =	shalt  }
.Lfunc_end2:
_tile_overlayer_lowered:
.L_overlay_start_2:
0x31: {  	(tag) =	ssettag $0x2  }
0x32: {  	s0 =	rddreg [dreg:$0x0];
	s2 =	stileid.u32  }
0x33: {  	s1 =	rddreg [dreg:$0x1];
	p0 =	sne.s32 s2, $0x0  }
0x34: {  	s3 =	rddreg [dreg:$0x2];
	[bflag:$0x3] =	sbarrier.arrive $0xFFFF;
	s2 =	simm.s32 @!p0 $0x1C01  }
0x35: {  	[timem:s3], [sflag:s2] =	dma.local @!p0 [hbm:s0], s1  }
0x36: {  	s0 =	simm.s32 @!p0 $0x1  }
0x37: {  	_ =	swait.ge @!p0 [sflag:s0], s1  }
0x38: {  	s1 =	ssub.s32 @!p0 $0x0, s1;
	[sflag:s0] =	ssyncset.done @!p0 $0x0  }
0x39: {  	[sflag:s0] =	ssyncadd.s32 @!p0 s1  }
0x3a: {  	[bflag:$0x3] =	sbarrier.arrive $0xFFFF  }
0x3b: {  	_ =	shalt  }

</sc_bundles>
